<compile_context>
chip_gen: v7x
topology: tpu7x:2x2x1
jax: 0.10.2.dev20260603
libtpu: 0.0.44.dev20260713+nightly
codegen_flags: <defaults>
</compile_context>

<pallas_src>
import functools

import jax
import jax.numpy as jnp
from jax import lax
from jax.experimental import pallas as pl
from jax.experimental.pallas import tpu as pltpu
from jax.experimental.pallas import tpu_sc as plsc

NC = 2
NS = 16
NW = NC * NS
LANES = 16
G = 128


def _sc_mesh():
    return plsc.VectorSubcoreMesh(
        core_axis_name="c", subcore_axis_name="s", num_cores=NC,
        num_subcores=NS)


def _zero_vmem_1d(ref, nwords):
    zeros = jnp.zeros((LANES,), jnp.float32)

    def body(i, _):
        ref[pl.ds(i * LANES, LANES)] = zeros
        return 0

    lax.fori_loop(0, nwords // LANES, body, 0)


def _make_deg_kernel(n_pad, ch):

    @functools.partial(
        pl.kernel,
        out_type=jax.ShapeDtypeStruct((NC, n_pad), jnp.float32),
        mesh=_sc_mesh(),
        scratch_types=[
            pltpu.VMEM((ch, G), jnp.int32),
            pltpu.VMEM((G,), jnp.float32),
            pltpu.VMEM((n_pad // NS,), jnp.float32),
            pltpu.VMEM_SHARED((n_pad,), jnp.float32),
        ],
    )
    def deg_kernel(dst_hbm, out_hbm, dst_v, ones_v, zstripe_v, sh_deg):
        cid = lax.axis_index("c")
        sid = lax.axis_index("s")
        wid = sid * NC + cid
        stripe = n_pad // NS

        _zero_vmem_1d(zstripe_v, stripe)
        pltpu.sync_copy(zstripe_v, sh_deg.at[pl.ds(sid * stripe, stripe)])

        def ones_body(i, _):
            ones_v[pl.ds(i * LANES, LANES)] = jnp.ones((LANES,), jnp.float32)
            return 0
        lax.fori_loop(0, G // LANES, ones_body, 0)

        pltpu.sync_copy(dst_hbm.at[wid], dst_v)
        plsc.subcore_barrier()

        def step(j, _):
            pltpu.sync_copy(ones_v, sh_deg.at[dst_v.at[j]], add=True)
            return 0
        lax.fori_loop(0, ch, step, 0)

        plsc.subcore_barrier()
        pltpu.sync_copy(sh_deg.at[pl.ds(sid * stripe, stripe)],
                        out_hbm.at[cid, pl.ds(sid * stripe, stripe)])

    return deg_kernel


def _make_scatter_kernel(n, n_pad, ch, d):

    @functools.partial(
        pl.kernel,
        out_type=jax.ShapeDtypeStruct((NC, n_pad, d), jnp.float32),
        mesh=_sc_mesh(),
        scratch_types=[
            pltpu.VMEM((ch, G), jnp.int32),
            pltpu.VMEM((ch, G), jnp.int32),
            pltpu.VMEM((G, d), jnp.float32),
            pltpu.VMEM((G, d), jnp.float32),
            pltpu.VMEM_SHARED((n_pad, d), jnp.float32),
            pltpu.SemaphoreType.DMA,
            pltpu.SemaphoreType.DMA,
        ],
    )
    def scatter_kernel(src_hbm, dst_hbm, yw_hbm, out_hbm,
                       src_v, dst_v, rows0_v, rows1_v, sh_s, sem0, sem1):
        cid = lax.axis_index("c")
        sid = lax.axis_index("s")
        wid = sid * NC + cid
        stripe = n_pad // NS

        zeros = jnp.zeros((LANES,), jnp.float32)

        def zbody(i, _):
            r = i // (d // LANES)
            c = i % (d // LANES)
            rows0_v[r, pl.ds(c * LANES, LANES)] = zeros
            return 0
        lax.fori_loop(0, G * d // LANES, zbody, 0)

        for k in range(stripe // G):
            pltpu.sync_copy(
                rows0_v, sh_s.at[pl.ds(sid * stripe + k * G, G)])

        pltpu.sync_copy(src_hbm.at[wid], src_v)
        pltpu.sync_copy(dst_hbm.at[wid], dst_v)
        plsc.subcore_barrier()

        def gath(j, buf, sem):
            pltpu.async_copy(yw_hbm.at[src_v.at[j]], buf, sem)

        def wait(buf, sem):
            pltpu.make_async_copy(yw_hbm.at[src_v.at[0]], buf, sem).wait()

        def scat(j, buf):
            pltpu.sync_copy(buf, sh_s.at[dst_v.at[j]], add=True)

        gath(0, rows0_v, sem0)

        def step(jj, _):
            j0 = 2 * jj
            wait(rows0_v, sem0)
            gath(j0 + 1, rows1_v, sem1)
            scat(j0, rows0_v)
            wait(rows1_v, sem1)
            gath(j0 + 2, rows0_v, sem0)
            scat(j0 + 1, rows1_v)
            return 0
        lax.fori_loop(0, ch // 2 - 1, step, 0)

        wait(rows0_v, sem0)
        gath(ch - 1, rows1_v, sem1)
        scat(ch - 2, rows0_v)
        wait(rows1_v, sem1)
        scat(ch - 1, rows1_v)

        plsc.subcore_barrier()
        pltpu.sync_copy(sh_s.at[pl.ds(sid * stripe, stripe)],
                        out_hbm.at[cid, pl.ds(sid * stripe, stripe)])

    return scatter_kernel


def _prep1_body(x_ref, wh_ref, wc_ref, ah_ref, u_ref, xw_ref):
    x = x_ref[...]
    u = lax.dot_general(x, wh_ref[...], (((1,), (1,)), ((), ())),
                        preferred_element_type=jnp.float32)
    u_ref[...] = ah_ref[0, 0] * jnp.maximum(u, 0.0)
    xw_ref[...] = lax.dot_general(x, wc_ref[...], (((1,), (1,)), ((), ())),
                                  preferred_element_type=jnp.float32)


def _prep2_body(deg_ref, xw_ref, al_ref, yw_ref, dinv_ref):
    deg = deg_ref[:, 0:1] + deg_ref[:, 1:2] + 1.0
    dinv = lax.rsqrt(deg)
    dinv_ref[...] = dinv
    yw_ref[...] = (al_ref[0, 0] * dinv) * xw_ref[...]


def _mm_body(lsym_ref, u_ref, o_ref):
    o_ref[...] = lax.dot_general(lsym_ref[...], u_ref[...],
                                 (((1,), (0,)), ((), ())),
                                 preferred_element_type=jnp.float32)


def _combine_body(hh_ref, s0_ref, s1_ref, yw_ref, dinv_ref, b_ref,
                  al_ref, o_ref):
    low = dinv_ref[...] * (s0_ref[...] + s1_ref[...] + yw_ref[...])
    o_ref[...] = hh_ref[...] + low + al_ref[0, 0] * b_ref[...]


def kernel(x, edge_index, Lsym, W_high, W_conv, b_conv, aL, aH):
    n, d_in = x.shape
    d = W_conv.shape[0]
    e = edge_index.shape[1]

    ew = -(-e // (NW * G)) * G
    ch = ew // G
    e_pad = ew * NW
    n_pad = -(-(n + 1) // (NS * G)) * (NS * G)

    src = edge_index[0]
    dst = edge_index[1]
    pad = e_pad - e
    src_p = jnp.concatenate([src, jnp.zeros((pad,), jnp.int32)])
    dst_p = jnp.concatenate([dst, jnp.full((pad,), n, jnp.int32)])
    src3 = src_p.reshape(NW, ch, G)
    dst3 = dst_p.reshape(NW, ch, G)

    al2 = aL.reshape(1, 1)
    ah2 = aH.reshape(1, 1)

    deg2 = _make_deg_kernel(n_pad, ch)(dst3)

    rb1 = 2000
    u, xw = pl.pallas_call(
        _prep1_body,
        grid=(n // rb1,),
        in_specs=[
            pl.BlockSpec((rb1, d_in), lambda i: (i, 0)),
            pl.BlockSpec((d, d_in), lambda i: (0, 0)),
            pl.BlockSpec((d, d_in), lambda i: (0, 0)),
            pl.BlockSpec(memory_space=pltpu.SMEM),
        ],
        out_specs=[
            pl.BlockSpec((rb1, d), lambda i: (i, 0)),
            pl.BlockSpec((rb1, d), lambda i: (i, 0)),
        ],
        out_shape=[
            jax.ShapeDtypeStruct((n, d), jnp.float32),
            jax.ShapeDtypeStruct((n, d), jnp.float32),
        ],
    )(x, W_high, W_conv, ah2)

    degT = deg2[:, :n].T
    yw, dinv = pl.pallas_call(
        _prep2_body,
        grid=(n // rb1,),
        in_specs=[
            pl.BlockSpec((rb1, NC), lambda i: (i, 0)),
            pl.BlockSpec((rb1, d), lambda i: (i, 0)),
            pl.BlockSpec(memory_space=pltpu.SMEM),
        ],
        out_specs=[
            pl.BlockSpec((rb1, d), lambda i: (i, 0)),
            pl.BlockSpec((rb1, 1), lambda i: (i, 0)),
        ],
        out_shape=[
            jax.ShapeDtypeStruct((n, d), jnp.float32),
            jax.ShapeDtypeStruct((n, 1), jnp.float32),
        ],
    )(degT, xw, al2)

    s2 = _make_scatter_kernel(n, n_pad, ch, d)(src3, dst3, yw)

    rb2 = 400
    hh = pl.pallas_call(
        _mm_body,
        grid=(n // rb2,),
        in_specs=[
            pl.BlockSpec((rb2, n), lambda i: (i, 0)),
            pl.BlockSpec((n, d), lambda i: (0, 0)),
        ],
        out_specs=pl.BlockSpec((rb2, d), lambda i: (i, 0)),
        out_shape=jax.ShapeDtypeStruct((n, d), jnp.float32),
    )(Lsym, u)

    s0 = s2[0, :n]
    s1 = s2[1, :n]
    out = pl.pallas_call(
        _combine_body,
        grid=(n // rb1,),
        in_specs=[
            pl.BlockSpec((rb1, d), lambda i: (i, 0)),
            pl.BlockSpec((rb1, d), lambda i: (i, 0)),
            pl.BlockSpec((rb1, d), lambda i: (i, 0)),
            pl.BlockSpec((rb1, d), lambda i: (i, 0)),
            pl.BlockSpec((rb1, 1), lambda i: (i, 0)),
            pl.BlockSpec((1, d), lambda i: (0, 0)),
            pl.BlockSpec(memory_space=pltpu.SMEM),
        ],
        out_specs=pl.BlockSpec((rb1, d), lambda i: (i, 0)),
        out_shape=jax.ShapeDtypeStruct((n, d), jnp.float32),
    )(hh, s0, s1, yw, dinv, b_conv.reshape(1, d), al2)
    return out

# --- scband reference (transcript-rebuilt; emitter-appended) ---
"""Pipeline reference for scband-fbgcn-layer-22316650070954 (READ-ONLY COPY).

The authoritative reference and input builder live on the scoring server;
editing this copy changes nothing except your own understanding.
"""

import jax, jax.numpy as jnp
import numpy as np

N = 10000
E = 160000
D_IN = 128
D_OUT = 128


def setup_inputs(seed: int = 0) -> dict:
    key = jax.random.key(seed)
    ks = jax.random.split(key, 8)
    x = jax.random.normal(ks[0], (N, D_IN), dtype=jnp.float32)
    edge_index = jax.random.randint(ks[1], (2, E), 0, N, dtype=jnp.int32)
    Lsym = jax.random.normal(ks[2], (N, N), dtype=jnp.float32) * 0.01
    gain = float(np.sqrt(2.0))
    std_high = gain * float(np.sqrt(2.0 / (D_IN + D_OUT)))
    W_high = jax.random.normal(ks[3], (D_OUT, D_IN), dtype=jnp.float32) * std_high
    limit = float(np.sqrt(6.0 / (D_IN + D_OUT)))
    W_conv = jax.random.uniform(ks[4], (D_OUT, D_IN), dtype=jnp.float32, minval=-limit, maxval=limit)
    b_conv = jnp.zeros((D_OUT,), dtype=jnp.float32)
    aL = jnp.array(0.5, dtype=jnp.float32)
    aH = jnp.array(0.5, dtype=jnp.float32)
    return {"x": x, "edge_index": edge_index, "Lsym": Lsym, "W_high": W_high,
            "W_conv": W_conv, "b_conv": b_conv, "aL": aL, "aH": aH}


def reference(x, edge_index, Lsym, W_high, W_conv, b_conv, aL, aH):
    n = x.shape[0]
    # High-pass branch: Lsym @ relu(Linear(x))  (Linear has no bias)
    Hh = Lsym @ jax.nn.relu(x @ W_high.T)
    # Low-pass branch: GCNConv with self-loops and symmetric normalization
    src = edge_index[0]
    dst = edge_index[1]
    loop = jnp.arange(n, dtype=src.dtype)
    src2 = jnp.concatenate([src, loop])
    dst2 = jnp.concatenate([dst, loop])
    ones = jnp.ones(src2.shape[0], dtype=x.dtype)
    deg = jax.ops.segment_sum(ones, dst2, num_segments=n)
    dinv = jnp.where(deg > 0, jax.lax.rsqrt(jnp.maximum(deg, 1e-12)), 0.0)
    norm = dinv[src2] * dinv[dst2]
    xw = x @ W_conv.T
    msg = jnp.take(xw, src2, axis=0) * norm[:, None]
    Hl = jax.ops.segment_sum(msg, dst2, num_segments=n) + b_conv
    return aL * Hl + aH * Hh

if __name__ == "__main__":
    import jax
    _d = setup_inputs()
    print(jax.jit(kernel)(*tuple(_d.values())))

</pallas_src>

<mosaic_0001>
#map = affine_map<(d0, d1) -> (0, 0, 0)>
#map1 = affine_map<(d0, d1) -> (0, 0)>
module attributes {stable_mosaic.version = 14 : i64} {
  func.func @scatter_kernel(%arg0: i32, %arg1: i32, %arg2: memref<32x40x128xi32, #tpu.memory_space<hbm>>, %arg3: memref<32x40x128xi32, #tpu.memory_space<hbm>>, %arg4: memref<10000x128xf32, #tpu.memory_space<hbm>>, %arg5: memref<2x10240x128xf32, #tpu.memory_space<hbm>>, %arg6: memref<40x128xi32, #tpu.memory_space<vmem>>, %arg7: memref<40x128xi32, #tpu.memory_space<vmem>>, %arg8: memref<128x128xf32, #tpu.memory_space<vmem>>, %arg9: memref<128x128xf32, #tpu.memory_space<vmem>>, %arg10: memref<10240x128xf32, #tpu.memory_space<vmem_shared>>, %arg11: memref<!tpu.dma_semaphore, #tpu.memory_space<semaphore_mem>>, %arg12: memref<!tpu.dma_semaphore, #tpu.memory_space<semaphore_mem>>) attributes {dimension_semantics = [#tpu.dimension_semantics<core_parallel>, #tpu.dimension_semantics<subcore_parallel>], iteration_bounds = array<i64: 2, 16>, scalar_prefetch = 0 : i64, scratch_operands = 7 : i64, tpu.core_type = #tpu.core_type<sc_vector_subcore>, window_params = [{transform_indices = #map}, {transform_indices = #map}, {transform_indices = #map1}, {transform_indices = #map}]} {
    %mul3A = arith.constant 2 : i32
    %mul3A_0 = arith.muli %arg1, %mul3A : i32
    %add3A = arith.addi %mul3A_0, %arg0 : i32
    %broadcast_in_dim3A = arith.constant 0.000000e+00 : f32
    %broadcast_in_dim3A_1 = vector.broadcast %broadcast_in_dim3A : f32 to vector<16xf32>
    %scan3A = arith.constant 0 : i32
    %scan3A_2 = arith.constant 0 : i32
    %scan3A_3 = arith.constant 1024 : i32
    %scan3A_4 = arith.addi %scan3A_2, %scan3A_3 : i32
    %scan3A_5 = arith.constant 1 : i32
    %scan3A_6 = scf.for %scan3A_67 = %scan3A_2 to %scan3A_4 step %scan3A_5 iter_args(%scan3A_68 = %scan3A) -> (i32)  : i32 {
      %jit3A = arith.constant 8 : i32
      %div3A = arith.divsi %scan3A_67, %jit3A : i32
      %sign3A = arith.constant 0 : i32
      %sign3A_69 = arith.cmpi sgt, %scan3A_67, %sign3A : i32
      %sign3A_70 = arith.extui %sign3A_69 : i1 to i32
      %sign3A_71 = arith.constant 0 : i32
      %sign3A_72 = arith.cmpi slt, %scan3A_67, %sign3A_71 : i32
      %sign3A_73 = arith.extui %sign3A_72 : i1 to i32
      %sign3A_74 = arith.subi %sign3A_70, %sign3A_73 : i32
      %sign3A_75 = arith.constant 0 : i32
      %sign3A_76 = arith.cmpi sgt, %jit3A, %sign3A_75 : i32
      %sign3A_77 = arith.extui %sign3A_76 : i1 to i32
      %sign3A_78 = arith.constant 0 : i32
      %sign3A_79 = arith.cmpi slt, %jit3A, %sign3A_78 : i32
      %sign3A_80 = arith.extui %sign3A_79 : i1 to i32
      %sign3A_81 = arith.subi %sign3A_77, %sign3A_80 : i32
      %ne3A = arith.cmpi ne, %sign3A_74, %sign3A_81 : i32
      %rem3A = arith.remsi %scan3A_67, %jit3A : i32
      %ne3A_82 = arith.constant 0 : i32
      %ne3A_83 = arith.cmpi ne, %rem3A, %ne3A_82 : i32
      %and3A = arith.andi %ne3A, %ne3A_83 : i1
      %sub3A = arith.constant 1 : i32
      %sub3A_84 = arith.subi %div3A, %sub3A : i32
      %select_n3A = arith.select %and3A, %sub3A_84, %div3A : i32
      %jit3A_85 = arith.constant 8 : i32
      %eq3A = arith.constant 0 : i32
      %eq3A_86 = arith.cmpi eq, %jit3A_85, %eq3A : i32
      %jit3A_87 = arith.constant 1 : i32
      %select_n3A_88 = arith.select %eq3A_86, %jit3A_87, %jit3A_85 : i32
      %rem3A_89 = arith.remsi %scan3A_67, %select_n3A_88 : i32
      %ne3A_90 = arith.constant 0 : i32
      %ne3A_91 = arith.cmpi ne, %rem3A_89, %ne3A_90 : i32
      %lt3A = arith.constant 0 : i32
      %lt3A_92 = arith.cmpi slt, %rem3A_89, %lt3A : i32
      %lt3A_93 = arith.constant 0 : i32
      %lt3A_94 = arith.cmpi slt, %select_n3A_88, %lt3A_93 : i32
      %ne3A_95 = arith.xori %lt3A_92, %lt3A_94 : i1
      %and3A_96 = arith.andi %ne3A_95, %ne3A_91 : i1
      %add3A_97 = arith.addi %rem3A_89, %select_n3A_88 : i32
      %select_n3A_98 = arith.select %and3A_96, %add3A_97, %rem3A_89 : i32
      %mul3A_99 = arith.constant 16 : i32
      %mul3A_100 = arith.muli %select_n3A_98, %mul3A_99 : i32
      %swap3A = arith.index_cast %select_n3A : i32 to index
      %swap3A_101 = arith.index_cast %mul3A_100 : i32 to index
      %swap3A_102 = tpu.vector_load %arg8[%swap3A, %swap3A_101] {strides = array<i32>} : memref<128x128xf32, #tpu.memory_space<vmem>>, vector<1x16xf32>,
      %swap3A_103 = vector.shape_cast %swap3A_102 : vector<1x16xf32> to vector<16xf32>
      %swap3A_104 = vector.shape_cast %broadcast_in_dim3A_1 : vector<16xf32> to vector<1x16xf32>
      tpu.vector_store %arg8[%swap3A, %swap3A_101], %swap3A_104 {strides = array<i32>} : memref<128x128xf32, #tpu.memory_space<vmem>>, vector<1x16xf32>,
      %scan3A_105 = arith.constant 0 : i32
      scf.yield %scan3A_105 : i32
    }
    %scan3A_7 = arith.constant 1024 : i32
    %mul3A_8 = arith.constant 640 : i32
    %mul3A_9 = arith.muli %arg1, %mul3A_8 : i32
    %add3A_10 = arith.constant 0 : i32
    %add3A_11 = arith.addi %mul3A_9, %add3A_10 : i32
    "tpu.region"() ({
      %run_scoped3A_67 = tpu.sem_alloc : memref<!tpu.dma_semaphore, #tpu.memory_space<semaphore_mem>>
      %dma_start3A_68 = arith.constant 0 : i32
      %dma_start3A_69 = tpu.memref_slice %arg10[%add3A_11, %dma_start3A_68] : memref<10240x128xf32, #tpu.memory_space<vmem_shared>> -> memref<128x128xf32, #tpu.memory_space<vmem_shared>>
      %dma_start3A_70 = arith.constant 0 : i32
      %dma_start3A_71 = tpu.memref_slice %arg10[%add3A_11, %dma_start3A_70] : memref<10240x128xf32, #tpu.memory_space<vmem_shared>> -> memref<128x128xf32, #tpu.memory_space<vmem_shared>>
      tpu.enqueue_dma source(%arg8 : memref<128x128xf32, #tpu.memory_space<vmem>>) target(%dma_start3A_71 : memref<128x128xf32, #tpu.memory_space<vmem_shared>>) target_semaphore(%run_scoped3A_67 : memref<!tpu.dma_semaphore, #tpu.memory_space<semaphore_mem>>)
      %dma_wait3A_72 = arith.constant 0 : i32
      %dma_wait3A_73 = tpu.memref_slice %arg10[%add3A_11, %dma_wait3A_72] : memref<10240x128xf32, #tpu.memory_space<vmem_shared>> -> memref<128x128xf32, #tpu.memory_space<vmem_shared>>
      %dma_wait3A_74 = arith.constant 0 : i32
      %dma_wait3A_75 = tpu.memref_slice %arg10[%add3A_11, %dma_wait3A_74] : memref<10240x128xf32, #tpu.memory_space<vmem_shared>> -> memref<128x128xf32, #tpu.memory_space<vmem_shared>>
      tpu.wait_dma2 semaphore(%run_scoped3A_67 : memref<!tpu.dma_semaphore, #tpu.memory_space<semaphore_mem>>) src(%arg8 : memref<128x128xf32, #tpu.memory_space<vmem>>) dst(%dma_wait3A_75 : memref<128x128xf32, #tpu.memory_space<vmem_shared>>)
      tpu.yield
    }) : () -> ()
    %mul3A_12 = arith.constant 640 : i32
    %mul3A_13 = arith.muli %arg1, %mul3A_12 : i32
    %add3A_14 = arith.constant 128 : i32
    %add3A_15 = arith.addi %mul3A_13, %add3A_14 : i32
    "tpu.region"() ({
      %run_scoped3A_67 = tpu.sem_alloc : memref<!tpu.dma_semaphore, #tpu.memory_space<semaphore_mem>>
      %dma_start3A_68 = arith.constant 0 : i32
      %dma_start3A_69 = tpu.memref_slice %arg10[%add3A_15, %dma_start3A_68] : memref<10240x128xf32, #tpu.memory_space<vmem_shared>> -> memref<128x128xf32, #tpu.memory_space<vmem_shared>>
      %dma_start3A_70 = arith.constant 0 : i32
      %dma_start3A_71 = tpu.memref_slice %arg10[%add3A_15, %dma_start3A_70] : memref<10240x128xf32, #tpu.memory_space<vmem_shared>> -> memref<128x128xf32, #tpu.memory_space<vmem_shared>>
      tpu.enqueue_dma source(%arg8 : memref<128x128xf32, #tpu.memory_space<vmem>>) target(%dma_start3A_71 : memref<128x128xf32, #tpu.memory_space<vmem_shared>>) target_semaphore(%run_scoped3A_67 : memref<!tpu.dma_semaphore, #tpu.memory_space<semaphore_mem>>)
      %dma_wait3A_72 = arith.constant 0 : i32
      %dma_wait3A_73 = tpu.memref_slice %arg10[%add3A_15, %dma_wait3A_72] : memref<10240x128xf32, #tpu.memory_space<vmem_shared>> -> memref<128x128xf32, #tpu.memory_space<vmem_shared>>
      %dma_wait3A_74 = arith.constant 0 : i32
      %dma_wait3A_75 = tpu.memref_slice %arg10[%add3A_15, %dma_wait3A_74] : memref<10240x128xf32, #tpu.memory_space<vmem_shared>> -> memref<128x128xf32, #tpu.memory_space<vmem_shared>>
      tpu.wait_dma2 semaphore(%run_scoped3A_67 : memref<!tpu.dma_semaphore, #tpu.memory_space<semaphore_mem>>) src(%arg8 : memref<128x128xf32, #tpu.memory_space<vmem>>) dst(%dma_wait3A_75 : memref<128x128xf32, #tpu.memory_space<vmem_shared>>)
      tpu.yield
    }) : () -> ()
    %mul3A_16 = arith.constant 640 : i32
    %mul3A_17 = arith.muli %arg1, %mul3A_16 : i32
    %add3A_18 = arith.constant 256 : i32
    %add3A_19 = arith.addi %mul3A_17, %add3A_18 : i32
    "tpu.region"() ({
      %run_scoped3A_67 = tpu.sem_alloc : memref<!tpu.dma_semaphore, #tpu.memory_space<semaphore_mem>>
      %dma_start3A_68 = arith.constant 0 : i32
      %dma_start3A_69 = tpu.memref_slice %arg10[%add3A_19, %dma_start3A_68] : memref<10240x128xf32, #tpu.memory_space<vmem_shared>> -> memref<128x128xf32, #tpu.memory_space<vmem_shared>>
      %dma_start3A_70 = arith.constant 0 : i32
      %dma_start3A_71 = tpu.memref_slice %arg10[%add3A_19, %dma_start3A_70] : memref<10240x128xf32, #tpu.memory_space<vmem_shared>> -> memref<128x128xf32, #tpu.memory_space<vmem_shared>>
      tpu.enqueue_dma source(%arg8 : memref<128x128xf32, #tpu.memory_space<vmem>>) target(%dma_start3A_71 : memref<128x128xf32, #tpu.memory_space<vmem_shared>>) target_semaphore(%run_scoped3A_67 : memref<!tpu.dma_semaphore, #tpu.memory_space<semaphore_mem>>)
      %dma_wait3A_72 = arith.constant 0 : i32
      %dma_wait3A_73 = tpu.memref_slice %arg10[%add3A_19, %dma_wait3A_72] : memref<10240x128xf32, #tpu.memory_space<vmem_shared>> -> memref<128x128xf32, #tpu.memory_space<vmem_shared>>
      %dma_wait3A_74 = arith.constant 0 : i32
      %dma_wait3A_75 = tpu.memref_slice %arg10[%add3A_19, %dma_wait3A_74] : memref<10240x128xf32, #tpu.memory_space<vmem_shared>> -> memref<128x128xf32, #tpu.memory_space<vmem_shared>>
      tpu.wait_dma2 semaphore(%run_scoped3A_67 : memref<!tpu.dma_semaphore, #tpu.memory_space<semaphore_mem>>) src(%arg8 : memref<128x128xf32, #tpu.memory_space<vmem>>) dst(%dma_wait3A_75 : memref<128x128xf32, #tpu.memory_space<vmem_shared>>)
      tpu.yield
    }) : () -> ()
    %mul3A_20 = arith.constant 640 : i32
    %mul3A_21 = arith.muli %arg1, %mul3A_20 : i32
    %add3A_22 = arith.constant 384 : i32
    %add3A_23 = arith.addi %mul3A_21, %add3A_22 : i32
    "tpu.region"() ({
      %run_scoped3A_67 = tpu.sem_alloc : memref<!tpu.dma_semaphore, #tpu.memory_space<semaphore_mem>>
      %dma_start3A_68 = arith.constant 0 : i32
      %dma_start3A_69 = tpu.memref_slice %arg10[%add3A_23, %dma_start3A_68] : memref<10240x128xf32, #tpu.memory_space<vmem_shared>> -> memref<128x128xf32, #tpu.memory_space<vmem_shared>>
      %dma_start3A_70 = arith.constant 0 : i32
      %dma_start3A_71 = tpu.memref_slice %arg10[%add3A_23, %dma_start3A_70] : memref<10240x128xf32, #tpu.memory_space<vmem_shared>> -> memref<128x128xf32, #tpu.memory_space<vmem_shared>>
      tpu.enqueue_dma source(%arg8 : memref<128x128xf32, #tpu.memory_space<vmem>>) target(%dma_start3A_71 : memref<128x128xf32, #tpu.memory_space<vmem_shared>>) target_semaphore(%run_scoped3A_67 : memref<!tpu.dma_semaphore, #tpu.memory_space<semaphore_mem>>)
      %dma_wait3A_72 = arith.constant 0 : i32
      %dma_wait3A_73 = tpu.memref_slice %arg10[%add3A_23, %dma_wait3A_72] : memref<10240x128xf32, #tpu.memory_space<vmem_shared>> -> memref<128x128xf32, #tpu.memory_space<vmem_shared>>
      %dma_wait3A_74 = arith.constant 0 : i32
      %dma_wait3A_75 = tpu.memref_slice %arg10[%add3A_23, %dma_wait3A_74] : memref<10240x128xf32, #tpu.memory_space<vmem_shared>> -> memref<128x128xf32, #tpu.memory_space<vmem_shared>>
      tpu.wait_dma2 semaphore(%run_scoped3A_67 : memref<!tpu.dma_semaphore, #tpu.memory_space<semaphore_mem>>) src(%arg8 : memref<128x128xf32, #tpu.memory_space<vmem>>) dst(%dma_wait3A_75 : memref<128x128xf32, #tpu.memory_space<vmem_shared>>)
      tpu.yield
    }) : () -> ()
    %mul3A_24 = arith.constant 640 : i32
    %mul3A_25 = arith.muli %arg1, %mul3A_24 : i32
    %add3A_26 = arith.constant 512 : i32
    %add3A_27 = arith.addi %mul3A_25, %add3A_26 : i32
    "tpu.region"() ({
      %run_scoped3A_67 = tpu.sem_alloc : memref<!tpu.dma_semaphore, #tpu.memory_space<semaphore_mem>>
      %dma_start3A_68 = arith.constant 0 : i32
      %dma_start3A_69 = tpu.memref_slice %arg10[%add3A_27, %dma_start3A_68] : memref<10240x128xf32, #tpu.memory_space<vmem_shared>> -> memref<128x128xf32, #tpu.memory_space<vmem_shared>>
      %dma_start3A_70 = arith.constant 0 : i32
      %dma_start3A_71 = tpu.memref_slice %arg10[%add3A_27, %dma_start3A_70] : memref<10240x128xf32, #tpu.memory_space<vmem_shared>> -> memref<128x128xf32, #tpu.memory_space<vmem_shared>>
      tpu.enqueue_dma source(%arg8 : memref<128x128xf32, #tpu.memory_space<vmem>>) target(%dma_start3A_71 : memref<128x128xf32, #tpu.memory_space<vmem_shared>>) target_semaphore(%run_scoped3A_67 : memref<!tpu.dma_semaphore, #tpu.memory_space<semaphore_mem>>)
      %dma_wait3A_72 = arith.constant 0 : i32
      %dma_wait3A_73 = tpu.memref_slice %arg10[%add3A_27, %dma_wait3A_72] : memref<10240x128xf32, #tpu.memory_space<vmem_shared>> -> memref<128x128xf32, #tpu.memory_space<vmem_shared>>
      %dma_wait3A_74 = arith.constant 0 : i32
      %dma_wait3A_75 = tpu.memref_slice %arg10[%add3A_27, %dma_wait3A_74] : memref<10240x128xf32, #tpu.memory_space<vmem_shared>> -> memref<128x128xf32, #tpu.memory_space<vmem_shared>>
      tpu.wait_dma2 semaphore(%run_scoped3A_67 : memref<!tpu.dma_semaphore, #tpu.memory_space<semaphore_mem>>) src(%arg8 : memref<128x128xf32, #tpu.memory_space<vmem>>) dst(%dma_wait3A_75 : memref<128x128xf32, #tpu.memory_space<vmem_shared>>)
      tpu.yield
    }) : () -> ()
    "tpu.region"() ({
      %run_scoped3A_67 = tpu.sem_alloc : memref<!tpu.dma_semaphore, #tpu.memory_space<semaphore_mem>>
      %dma_start3A_68 = arith.constant 0 : i32
      %dma_start3A_69 = arith.constant 0 : i32
      %dma_start3A_70 = tpu.memref_slice %arg2[%add3A, %dma_start3A_68, %dma_start3A_69] : memref<32x40x128xi32, #tpu.memory_space<hbm>> -> memref<1x40x128xi32, #tpu.memory_space<hbm>>
      %dma_start3A_71 = tpu.memref_squeeze %dma_start3A_70 : memref<1x40x128xi32, #tpu.memory_space<hbm>> -> memref<40x128xi32, #tpu.memory_space<hbm>>
      %dma_start3A_72 = arith.constant 0 : i32
      %dma_start3A_73 = arith.constant 0 : i32
      %dma_start3A_74 = tpu.memref_slice %arg2[%add3A, %dma_start3A_72, %dma_start3A_73] : memref<32x40x128xi32, #tpu.memory_space<hbm>> -> memref<1x40x128xi32, #tpu.memory_space<hbm>>
      %dma_start3A_75 = tpu.memref_squeeze %dma_start3A_74 : memref<1x40x128xi32, #tpu.memory_space<hbm>> -> memref<40x128xi32, #tpu.memory_space<hbm>>
      tpu.enqueue_dma source(%dma_start3A_75 : memref<40x128xi32, #tpu.memory_space<hbm>>) target(%arg6 : memref<40x128xi32, #tpu.memory_space<vmem>>) target_semaphore(%run_scoped3A_67 : memref<!tpu.dma_semaphore, #tpu.memory_space<semaphore_mem>>)
      %dma_wait3A_76 = arith.constant 0 : i32
      %dma_wait3A_77 = arith.constant 0 : i32
      %dma_wait3A_78 = tpu.memref_slice %arg2[%add3A, %dma_wait3A_76, %dma_wait3A_77] : memref<32x40x128xi32, #tpu.memory_space<hbm>> -> memref<1x40x128xi32, #tpu.memory_space<hbm>>
      %dma_wait3A_79 = tpu.memref_squeeze %dma_wait3A_78 : memref<1x40x128xi32, #tpu.memory_space<hbm>> -> memref<40x128xi32, #tpu.memory_space<hbm>>
      %dma_wait3A_80 = arith.constant 0 : i32
      %dma_wait3A_81 = arith.constant 0 : i32
      %dma_wait3A_82 = tpu.memref_slice %arg2[%add3A, %dma_wait3A_80, %dma_wait3A_81] : memref<32x40x128xi32, #tpu.memory_space<hbm>> -> memref<1x40x128xi32, #tpu.memory_space<hbm>>
      %dma_wait3A_83 = tpu.memref_squeeze %dma_wait3A_82 : memref<1x40x128xi32, #tpu.memory_space<hbm>> -> memref<40x128xi32, #tpu.memory_space<hbm>>
      tpu.wait_dma2 semaphore(%run_scoped3A_67 : memref<!tpu.dma_semaphore, #tpu.memory_space<semaphore_mem>>) src(%dma_wait3A_83 : memref<40x128xi32, #tpu.memory_space<hbm>>) dst(%arg6 : memref<40x128xi32, #tpu.memory_space<vmem>>)
      tpu.yield
    }) : () -> ()
    "tpu.region"() ({
      %run_scoped3A_67 = tpu.sem_alloc : memref<!tpu.dma_semaphore, #tpu.memory_space<semaphore_mem>>
      %dma_start3A_68 = arith.constant 0 : i32
      %dma_start3A_69 = arith.constant 0 : i32
      %dma_start3A_70 = tpu.memref_slice %arg3[%add3A, %dma_start3A_68, %dma_start3A_69] : memref<32x40x128xi32, #tpu.memory_space<hbm>> -> memref<1x40x128xi32, #tpu.memory_space<hbm>>
      %dma_start3A_71 = tpu.memref_squeeze %dma_start3A_70 : memref<1x40x128xi32, #tpu.memory_space<hbm>> -> memref<40x128xi32, #tpu.memory_space<hbm>>
      %dma_start3A_72 = arith.constant 0 : i32
      %dma_start3A_73 = arith.constant 0 : i32
      %dma_start3A_74 = tpu.memref_slice %arg3[%add3A, %dma_start3A_72, %dma_start3A_73] : memref<32x40x128xi32, #tpu.memory_space<hbm>> -> memref<1x40x128xi32, #tpu.memory_space<hbm>>
      %dma_start3A_75 = tpu.memref_squeeze %dma_start3A_74 : memref<1x40x128xi32, #tpu.memory_space<hbm>> -> memref<40x128xi32, #tpu.memory_space<hbm>>
      tpu.enqueue_dma source(%dma_start3A_75 : memref<40x128xi32, #tpu.memory_space<hbm>>) target(%arg7 : memref<40x128xi32, #tpu.memory_space<vmem>>) target_semaphore(%run_scoped3A_67 : memref<!tpu.dma_semaphore, #tpu.memory_space<semaphore_mem>>)
      %dma_wait3A_76 = arith.constant 0 : i32
      %dma_wait3A_77 = arith.constant 0 : i32
      %dma_wait3A_78 = tpu.memref_slice %arg3[%add3A, %dma_wait3A_76, %dma_wait3A_77] : memref<32x40x128xi32, #tpu.memory_space<hbm>> -> memref<1x40x128xi32, #tpu.memory_space<hbm>>
      %dma_wait3A_79 = tpu.memref_squeeze %dma_wait3A_78 : memref<1x40x128xi32, #tpu.memory_space<hbm>> -> memref<40x128xi32, #tpu.memory_space<hbm>>
      %dma_wait3A_80 = arith.constant 0 : i32
      %dma_wait3A_81 = arith.constant 0 : i32
      %dma_wait3A_82 = tpu.memref_slice %arg3[%add3A, %dma_wait3A_80, %dma_wait3A_81] : memref<32x40x128xi32, #tpu.memory_space<hbm>> -> memref<1x40x128xi32, #tpu.memory_space<hbm>>
      %dma_wait3A_83 = tpu.memref_squeeze %dma_wait3A_82 : memref<1x40x128xi32, #tpu.memory_space<hbm>> -> memref<40x128xi32, #tpu.memory_space<hbm>>
      tpu.wait_dma2 semaphore(%run_scoped3A_67 : memref<!tpu.dma_semaphore, #tpu.memory_space<semaphore_mem>>) src(%dma_wait3A_83 : memref<40x128xi32, #tpu.memory_space<hbm>>) dst(%arg7 : memref<40x128xi32, #tpu.memory_space<vmem>>)
      tpu.yield
    }) : () -> ()
    %barrier3A = arith.constant 0 : index
    tpu.barrier barrier_id(%barrier3A)
    %dma_start3A = arith.constant 0 : i32
    %dma_start3A_28 = arith.constant 0 : i32
    %dma_start3A_29 = tpu.memref_slice %arg6[%dma_start3A, %dma_start3A_28] : memref<40x128xi32, #tpu.memory_space<vmem>> -> memref<1x128xi32, #tpu.memory_space<vmem>>
    %dma_start3A_30 = tpu.memref_squeeze %dma_start3A_29 : memref<1x128xi32, #tpu.memory_space<vmem>> -> memref<128xi32, #tpu.memory_space<vmem>>
    %dma_start3A_31 = arith.constant 0 : i32
    %dma_start3A_32 = arith.constant 0 : i32
    %dma_start3A_33 = tpu.memref_slice %arg4[%dma_start3A_31, %dma_start3A_32] : memref<10000x128xf32, #tpu.memory_space<hbm>> -> memref<10000x128xf32, #tpu.memory_space<hbm>>
    tpu.enqueue_indirect_dma source(%dma_start3A_33 : memref<10000x128xf32, #tpu.memory_space<hbm>>) target(%arg8 : memref<128x128xf32, #tpu.memory_space<vmem>>) offsets(%dma_start3A_30 : memref<128xi32, #tpu.memory_space<vmem>>) semaphore(%arg11 : memref<!tpu.dma_semaphore, #tpu.memory_space<semaphore_mem>>)
    %scan3A_34 = arith.constant 0 : i32
    %scan3A_35 = arith.constant 0 : i32
    %scan3A_36 = arith.constant 19 : i32
    %scan3A_37 = arith.addi %scan3A_35, %scan3A_36 : i32
    %scan3A_38 = arith.constant 1 : i32
    %scan3A_39 = scf.for %scan3A_67 = %scan3A_35 to %scan3A_37 step %scan3A_38 iter_args(%scan3A_68 = %scan3A_34) -> (i32)  : i32 {
      %mul3A_69 = arith.constant 2 : i32
      %mul3A_70 = arith.muli %mul3A_69, %scan3A_67 : i32
      %dma_wait3A_71 = arith.constant 0 : i32
      %dma_wait3A_72 = arith.constant 0 : i32
      %dma_wait3A_73 = tpu.memref_slice %arg6[%dma_wait3A_71, %dma_wait3A_72] : memref<40x128xi32, #tpu.memory_space<vmem>> -> memref<1x128xi32, #tpu.memory_space<vmem>>
      %dma_wait3A_74 = tpu.memref_squeeze %dma_wait3A_73 : memref<1x128xi32, #tpu.memory_space<vmem>> -> memref<128xi32, #tpu.memory_space<vmem>>
      %dma_wait3A_75 = arith.constant 0 : i32
      %dma_wait3A_76 = arith.constant 0 : i32
      %dma_wait3A_77 = tpu.memref_slice %arg4[%dma_wait3A_75, %dma_wait3A_76] : memref<10000x128xf32, #tpu.memory_space<hbm>> -> memref<10000x128xf32, #tpu.memory_space<hbm>>
      tpu.wait_indirect_dma semaphore(%arg11 : memref<!tpu.dma_semaphore, #tpu.memory_space<semaphore_mem>>) src(%dma_wait3A_77 : memref<10000x128xf32, #tpu.memory_space<hbm>>) dst(%arg8 : memref<128x128xf32, #tpu.memory_space<vmem>>)
      %add3A_78 = arith.constant 1 : i32
      %add3A_79 = arith.addi %mul3A_70, %add3A_78 : i32
      %dma_start3A_80 = arith.constant 0 : i32
      %dma_start3A_81 = tpu.memref_slice %arg6[%add3A_79, %dma_start3A_80] : memref<40x128xi32, #tpu.memory_space<vmem>> -> memref<1x128xi32, #tpu.memory_space<vmem>>
      %dma_start3A_82 = tpu.memref_squeeze %dma_start3A_81 : memref<1x128xi32, #tpu.memory_space<vmem>> -> memref<128xi32, #tpu.memory_space<vmem>>
      %dma_start3A_83 = arith.constant 0 : i32
      %dma_start3A_84 = arith.constant 0 : i32
      %dma_start3A_85 = tpu.memref_slice %arg4[%dma_start3A_83, %dma_start3A_84] : memref<10000x128xf32, #tpu.memory_space<hbm>> -> memref<10000x128xf32, #tpu.memory_space<hbm>>
      tpu.enqueue_indirect_dma source(%dma_start3A_85 : memref<10000x128xf32, #tpu.memory_space<hbm>>) target(%arg9 : memref<128x128xf32, #tpu.memory_space<vmem>>) offsets(%dma_start3A_82 : memref<128xi32, #tpu.memory_space<vmem>>) semaphore(%arg12 : memref<!tpu.dma_semaphore, #tpu.memory_space<semaphore_mem>>)
      "tpu.region"() ({
        %run_scoped3A_104 = tpu.sem_alloc : memref<!tpu.dma_semaphore, #tpu.memory_space<semaphore_mem>>
        %dma_start3A_105 = arith.constant 0 : i32
        %dma_start3A_106 = tpu.memref_slice %arg7[%mul3A_70, %dma_start3A_105] : memref<40x128xi32, #tpu.memory_space<vmem>> -> memref<1x128xi32, #tpu.memory_space<vmem>>
        %dma_start3A_107 = tpu.memref_squeeze %dma_start3A_106 : memref<1x128xi32, #tpu.memory_space<vmem>> -> memref<128xi32, #tpu.memory_space<vmem>>
        %dma_start3A_108 = arith.constant 0 : i32
        %dma_start3A_109 = arith.constant 0 : i32
        %dma_start3A_110 = tpu.memref_slice %arg10[%dma_start3A_108, %dma_start3A_109] : memref<10240x128xf32, #tpu.memory_space<vmem_shared>> -> memref<10240x128xf32, #tpu.memory_space<vmem_shared>>
        tpu.enqueue_indirect_dma source(%arg8 : memref<128x128xf32, #tpu.memory_space<vmem>>) target(%dma_start3A_110 : memref<10240x128xf32, #tpu.memory_space<vmem_shared>>) offsets(%dma_start3A_107 : memref<128xi32, #tpu.memory_space<vmem>>) semaphore(%run_scoped3A_104 : memref<!tpu.dma_semaphore, #tpu.memory_space<semaphore_mem>>) {add = true}
        %dma_wait3A_111 = arith.constant 0 : i32
        %dma_wait3A_112 = tpu.memref_slice %arg7[%mul3A_70, %dma_wait3A_111] : memref<40x128xi32, #tpu.memory_space<vmem>> -> memref<1x128xi32, #tpu.memory_space<vmem>>
        %dma_wait3A_113 = tpu.memref_squeeze %dma_wait3A_112 : memref<1x128xi32, #tpu.memory_space<vmem>> -> memref<128xi32, #tpu.memory_space<vmem>>
        %dma_wait3A_114 = arith.constant 0 : i32
        %dma_wait3A_115 = arith.constant 0 : i32
        %dma_wait3A_116 = tpu.memref_slice %arg10[%dma_wait3A_114, %dma_wait3A_115] : memref<10240x128xf32, #tpu.memory_space<vmem_shared>> -> memref<10240x128xf32, #tpu.memory_space<vmem_shared>>
        tpu.wait_indirect_dma semaphore(%run_scoped3A_104 : memref<!tpu.dma_semaphore, #tpu.memory_space<semaphore_mem>>) src(%arg8 : memref<128x128xf32, #tpu.memory_space<vmem>>) dst(%dma_wait3A_116 : memref<10240x128xf32, #tpu.memory_space<vmem_shared>>)
        tpu.yield
      }) : () -> ()
      %dma_wait3A_86 = arith.constant 0 : i32
      %dma_wait3A_87 = arith.constant 0 : i32
      %dma_wait3A_88 = tpu.memref_slice %arg6[%dma_wait3A_86, %dma_wait3A_87] : memref<40x128xi32, #tpu.memory_space<vmem>> -> memref<1x128xi32, #tpu.memory_space<vmem>>
      %dma_wait3A_89 = tpu.memref_squeeze %dma_wait3A_88 : memref<1x128xi32, #tpu.memory_space<vmem>> -> memref<128xi32, #tpu.memory_space<vmem>>
      %dma_wait3A_90 = arith.constant 0 : i32
      %dma_wait3A_91 = arith.constant 0 : i32
      %dma_wait3A_92 = tpu.memref_slice %arg4[%dma_wait3A_90, %dma_wait3A_91] : memref<10000x128xf32, #tpu.memory_space<hbm>> -> memref<10000x128xf32, #tpu.memory_space<hbm>>
      tpu.wait_indirect_dma semaphore(%arg12 : memref<!tpu.dma_semaphore, #tpu.memory_space<semaphore_mem>>) src(%dma_wait3A_92 : memref<10000x128xf32, #tpu.memory_space<hbm>>) dst(%arg9 : memref<128x128xf32, #tpu.memory_space<vmem>>)
      %add3A_93 = arith.constant 2 : i32
      %add3A_94 = arith.addi %mul3A_70, %add3A_93 : i32
      %dma_start3A_95 = arith.constant 0 : i32
      %dma_start3A_96 = tpu.memref_slice %arg6[%add3A_94, %dma_start3A_95] : memref<40x128xi32, #tpu.memory_space<vmem>> -> memref<1x128xi32, #tpu.memory_space<vmem>>
      %dma_start3A_97 = tpu.memref_squeeze %dma_start3A_96 : memref<1x128xi32, #tpu.memory_space<vmem>> -> memref<128xi32, #tpu.memory_space<vmem>>
      %dma_start3A_98 = arith.constant 0 : i32
      %dma_start3A_99 = arith.constant 0 : i32
      %dma_start3A_100 = tpu.memref_slice %arg4[%dma_start3A_98, %dma_start3A_99] : memref<10000x128xf32, #tpu.memory_space<hbm>> -> memref<10000x128xf32, #tpu.memory_space<hbm>>
      tpu.enqueue_indirect_dma source(%dma_start3A_100 : memref<10000x128xf32, #tpu.memory_space<hbm>>) target(%arg8 : memref<128x128xf32, #tpu.memory_space<vmem>>) offsets(%dma_start3A_97 : memref<128xi32, #tpu.memory_space<vmem>>) semaphore(%arg11 : memref<!tpu.dma_semaphore, #tpu.memory_space<semaphore_mem>>)
      %add3A_101 = arith.constant 1 : i32
      %add3A_102 = arith.addi %mul3A_70, %add3A_101 : i32
      "tpu.region"() ({
        %run_scoped3A_104 = tpu.sem_alloc : memref<!tpu.dma_semaphore, #tpu.memory_space<semaphore_mem>>
        %dma_start3A_105 = arith.constant 0 : i32
        %dma_start3A_106 = tpu.memref_slice %arg7[%add3A_102, %dma_start3A_105] : memref<40x128xi32, #tpu.memory_space<vmem>> -> memref<1x128xi32, #tpu.memory_space<vmem>>
        %dma_start3A_107 = tpu.memref_squeeze %dma_start3A_106 : memref<1x128xi32, #tpu.memory_space<vmem>> -> memref<128xi32, #tpu.memory_space<vmem>>
        %dma_start3A_108 = arith.constant 0 : i32
        %dma_start3A_109 = arith.constant 0 : i32
        %dma_start3A_110 = tpu.memref_slice %arg10[%dma_start3A_108, %dma_start3A_109] : memref<10240x128xf32, #tpu.memory_space<vmem_shared>> -> memref<10240x128xf32, #tpu.memory_space<vmem_shared>>
        tpu.enqueue_indirect_dma source(%arg9 : memref<128x128xf32, #tpu.memory_space<vmem>>) target(%dma_start3A_110 : memref<10240x128xf32, #tpu.memory_space<vmem_shared>>) offsets(%dma_start3A_107 : memref<128xi32, #tpu.memory_space<vmem>>) semaphore(%run_scoped3A_104 : memref<!tpu.dma_semaphore, #tpu.memory_space<semaphore_mem>>) {add = true}
        %dma_wait3A_111 = arith.constant 0 : i32
        %dma_wait3A_112 = tpu.memref_slice %arg7[%add3A_102, %dma_wait3A_111] : memref<40x128xi32, #tpu.memory_space<vmem>> -> memref<1x128xi32, #tpu.memory_space<vmem>>
        %dma_wait3A_113 = tpu.memref_squeeze %dma_wait3A_112 : memref<1x128xi32, #tpu.memory_space<vmem>> -> memref<128xi32, #tpu.memory_space<vmem>>
        %dma_wait3A_114 = arith.constant 0 : i32
        %dma_wait3A_115 = arith.constant 0 : i32
        %dma_wait3A_116 = tpu.memref_slice %arg10[%dma_wait3A_114, %dma_wait3A_115] : memref<10240x128xf32, #tpu.memory_space<vmem_shared>> -> memref<10240x128xf32, #tpu.memory_space<vmem_shared>>
        tpu.wait_indirect_dma semaphore(%run_scoped3A_104 : memref<!tpu.dma_semaphore, #tpu.memory_space<semaphore_mem>>) src(%arg9 : memref<128x128xf32, #tpu.memory_space<vmem>>) dst(%dma_wait3A_116 : memref<10240x128xf32, #tpu.memory_space<vmem_shared>>)
        tpu.yield
      }) : () -> ()
      %scan3A_103 = arith.constant 0 : i32
      scf.yield %scan3A_103 : i32
    }
    %scan3A_40 = arith.constant 19 : i32
    %dma_wait3A = arith.constant 0 : i32
    %dma_wait3A_41 = arith.constant 0 : i32
    %dma_wait3A_42 = tpu.memref_slice %arg6[%dma_wait3A, %dma_wait3A_41] : memref<40x128xi32, #tpu.memory_space<vmem>> -> memref<1x128xi32, #tpu.memory_space<vmem>>
    %dma_wait3A_43 = tpu.memref_squeeze %dma_wait3A_42 : memref<1x128xi32, #tpu.memory_space<vmem>> -> memref<128xi32, #tpu.memory_space<vmem>>
    %dma_wait3A_44 = arith.constant 0 : i32
    %dma_wait3A_45 = arith.constant 0 : i32
    %dma_wait3A_46 = tpu.memref_slice %arg4[%dma_wait3A_44, %dma_wait3A_45] : memref<10000x128xf32, #tpu.memory_space<hbm>> -> memref<10000x128xf32, #tpu.memory_space<hbm>>
    tpu.wait_indirect_dma semaphore(%arg11 : memref<!tpu.dma_semaphore, #tpu.memory_space<semaphore_mem>>) src(%dma_wait3A_46 : memref<10000x128xf32, #tpu.memory_space<hbm>>) dst(%arg8 : memref<128x128xf32, #tpu.memory_space<vmem>>)
    %dma_start3A_47 = arith.constant 39 : i32
    %dma_start3A_48 = arith.constant 0 : i32
    %dma_start3A_49 = tpu.memref_slice %arg6[%dma_start3A_47, %dma_start3A_48] : memref<40x128xi32, #tpu.memory_space<vmem>> -> memref<1x128xi32, #tpu.memory_space<vmem>>
    %dma_start3A_50 = tpu.memref_squeeze %dma_start3A_49 : memref<1x128xi32, #tpu.memory_space<vmem>> -> memref<128xi32, #tpu.memory_space<vmem>>
    %dma_start3A_51 = arith.constant 0 : i32
    %dma_start3A_52 = arith.constant 0 : i32
    %dma_start3A_53 = tpu.memref_slice %arg4[%dma_start3A_51, %dma_start3A_52] : memref<10000x128xf32, #tpu.memory_space<hbm>> -> memref<10000x128xf32, #tpu.memory_space<hbm>>
    tpu.enqueue_indirect_dma source(%dma_start3A_53 : memref<10000x128xf32, #tpu.memory_space<hbm>>) target(%arg9 : memref<128x128xf32, #tpu.memory_space<vmem>>) offsets(%dma_start3A_50 : memref<128xi32, #tpu.memory_space<vmem>>) semaphore(%arg12 : memref<!tpu.dma_semaphore, #tpu.memory_space<semaphore_mem>>)
    %run_scoped3A = arith.constant 38 : i32
    "tpu.region"() ({
      %run_scoped3A_67 = tpu.sem_alloc : memref<!tpu.dma_semaphore, #tpu.memory_space<semaphore_mem>>
      %dma_start3A_68 = arith.constant 0 : i32
      %dma_start3A_69 = tpu.memref_slice %arg7[%run_scoped3A, %dma_start3A_68] : memref<40x128xi32, #tpu.memory_space<vmem>> -> memref<1x128xi32, #tpu.memory_space<vmem>>
      %dma_start3A_70 = tpu.memref_squeeze %dma_start3A_69 : memref<1x128xi32, #tpu.memory_space<vmem>> -> memref<128xi32, #tpu.memory_space<vmem>>
      %dma_start3A_71 = arith.constant 0 : i32
      %dma_start3A_72 = arith.constant 0 : i32
      %dma_start3A_73 = tpu.memref_slice %arg10[%dma_start3A_71, %dma_start3A_72] : memref<10240x128xf32, #tpu.memory_space<vmem_shared>> -> memref<10240x128xf32, #tpu.memory_space<vmem_shared>>
      tpu.enqueue_indirect_dma source(%arg8 : memref<128x128xf32, #tpu.memory_space<vmem>>) target(%dma_start3A_73 : memref<10240x128xf32, #tpu.memory_space<vmem_shared>>) offsets(%dma_start3A_70 : memref<128xi32, #tpu.memory_space<vmem>>) semaphore(%run_scoped3A_67 : memref<!tpu.dma_semaphore, #tpu.memory_space<semaphore_mem>>) {add = true}
      %dma_wait3A_74 = arith.constant 0 : i32
      %dma_wait3A_75 = tpu.memref_slice %arg7[%run_scoped3A, %dma_wait3A_74] : memref<40x128xi32, #tpu.memory_space<vmem>> -> memref<1x128xi32, #tpu.memory_space<vmem>>
      %dma_wait3A_76 = tpu.memref_squeeze %dma_wait3A_75 : memref<1x128xi32, #tpu.memory_space<vmem>> -> memref<128xi32, #tpu.memory_space<vmem>>
      %dma_wait3A_77 = arith.constant 0 : i32
      %dma_wait3A_78 = arith.constant 0 : i32
      %dma_wait3A_79 = tpu.memref_slice %arg10[%dma_wait3A_77, %dma_wait3A_78] : memref<10240x128xf32, #tpu.memory_space<vmem_shared>> -> memref<10240x128xf32, #tpu.memory_space<vmem_shared>>
      tpu.wait_indirect_dma semaphore(%run_scoped3A_67 : memref<!tpu.dma_semaphore, #tpu.memory_space<semaphore_mem>>) src(%arg8 : memref<128x128xf32, #tpu.memory_space<vmem>>) dst(%dma_wait3A_79 : memref<10240x128xf32, #tpu.memory_space<vmem_shared>>)
      tpu.yield
    }) : () -> ()
    %dma_wait3A_54 = arith.constant 0 : i32
    %dma_wait3A_55 = arith.constant 0 : i32
    %dma_wait3A_56 = tpu.memref_slice %arg6[%dma_wait3A_54, %dma_wait3A_55] : memref<40x128xi32, #tpu.memory_space<vmem>> -> memref<1x128xi32, #tpu.memory_space<vmem>>
    %dma_wait3A_57 = tpu.memref_squeeze %dma_wait3A_56 : memref<1x128xi32, #tpu.memory_space<vmem>> -> memref<128xi32, #tpu.memory_space<vmem>>
    %dma_wait3A_58 = arith.constant 0 : i32
    %dma_wait3A_59 = arith.constant 0 : i32
    %dma_wait3A_60 = tpu.memref_slice %arg4[%dma_wait3A_58, %dma_wait3A_59] : memref<10000x128xf32, #tpu.memory_space<hbm>> -> memref<10000x128xf32, #tpu.memory_space<hbm>>
    tpu.wait_indirect_dma semaphore(%arg12 : memref<!tpu.dma_semaphore, #tpu.memory_space<semaphore_mem>>) src(%dma_wait3A_60 : memref<10000x128xf32, #tpu.memory_space<hbm>>) dst(%arg9 : memref<128x128xf32, #tpu.memory_space<vmem>>)
    %run_scoped3A_61 = arith.constant 39 : i32
    "tpu.region"() ({
      %run_scoped3A_67 = tpu.sem_alloc : memref<!tpu.dma_semaphore, #tpu.memory_space<semaphore_mem>>
      %dma_start3A_68 = arith.constant 0 : i32
      %dma_start3A_69 = tpu.memref_slice %arg7[%run_scoped3A_61, %dma_start3A_68] : memref<40x128xi32, #tpu.memory_space<vmem>> -> memref<1x128xi32, #tpu.memory_space<vmem>>
      %dma_start3A_70 = tpu.memref_squeeze %dma_start3A_69 : memref<1x128xi32, #tpu.memory_space<vmem>> -> memref<128xi32, #tpu.memory_space<vmem>>
      %dma_start3A_71 = arith.constant 0 : i32
      %dma_start3A_72 = arith.constant 0 : i32
      %dma_start3A_73 = tpu.memref_slice %arg10[%dma_start3A_71, %dma_start3A_72] : memref<10240x128xf32, #tpu.memory_space<vmem_shared>> -> memref<10240x128xf32, #tpu.memory_space<vmem_shared>>
      tpu.enqueue_indirect_dma source(%arg9 : memref<128x128xf32, #tpu.memory_space<vmem>>) target(%dma_start3A_73 : memref<10240x128xf32, #tpu.memory_space<vmem_shared>>) offsets(%dma_start3A_70 : memref<128xi32, #tpu.memory_space<vmem>>) semaphore(%run_scoped3A_67 : memref<!tpu.dma_semaphore, #tpu.memory_space<semaphore_mem>>) {add = true}
      %dma_wait3A_74 = arith.constant 0 : i32
      %dma_wait3A_75 = tpu.memref_slice %arg7[%run_scoped3A_61, %dma_wait3A_74] : memref<40x128xi32, #tpu.memory_space<vmem>> -> memref<1x128xi32, #tpu.memory_space<vmem>>
      %dma_wait3A_76 = tpu.memref_squeeze %dma_wait3A_75 : memref<1x128xi32, #tpu.memory_space<vmem>> -> memref<128xi32, #tpu.memory_space<vmem>>
      %dma_wait3A_77 = arith.constant 0 : i32
      %dma_wait3A_78 = arith.constant 0 : i32
      %dma_wait3A_79 = tpu.memref_slice %arg10[%dma_wait3A_77, %dma_wait3A_78] : memref<10240x128xf32, #tpu.memory_space<vmem_shared>> -> memref<10240x128xf32, #tpu.memory_space<vmem_shared>>
      tpu.wait_indirect_dma semaphore(%run_scoped3A_67 : memref<!tpu.dma_semaphore, #tpu.memory_space<semaphore_mem>>) src(%arg9 : memref<128x128xf32, #tpu.memory_space<vmem>>) dst(%dma_wait3A_79 : memref<10240x128xf32, #tpu.memory_space<vmem_shared>>)
      tpu.yield
    }) : () -> ()
    %barrier3A_62 = arith.constant 0 : index
    tpu.barrier barrier_id(%barrier3A_62)
    %mul3A_63 = arith.constant 640 : i32
    %mul3A_64 = arith.muli %arg1, %mul3A_63 : i32
    %mul3A_65 = arith.constant 640 : i32
    %mul3A_66 = arith.muli %arg1, %mul3A_65 : i32
    "tpu.region"() ({
      %run_scoped3A_67 = tpu.sem_alloc : memref<!tpu.dma_semaphore, #tpu.memory_space<semaphore_mem>>
      %dma_start3A_68 = arith.constant 0 : i32
      %dma_start3A_69 = tpu.memref_slice %arg5[%arg0, %mul3A_66, %dma_start3A_68] : memref<2x10240x128xf32, #tpu.memory_space<hbm>> -> memref<1x640x128xf32, #tpu.memory_space<hbm>>
      %dma_start3A_70 = tpu.memref_squeeze %dma_start3A_69 : memref<1x640x128xf32, #tpu.memory_space<hbm>> -> memref<640x128xf32, #tpu.memory_space<hbm>>
      %dma_start3A_71 = arith.constant 0 : i32
      %dma_start3A_72 = tpu.memref_slice %arg10[%mul3A_64, %dma_start3A_71] : memref<10240x128xf32, #tpu.memory_space<vmem_shared>> -> memref<640x128xf32, #tpu.memory_space<vmem_shared>>
      tpu.enqueue_dma source(%dma_start3A_72 : memref<640x128xf32, #tpu.memory_space<vmem_shared>>) target(%dma_start3A_70 : memref<640x128xf32, #tpu.memory_space<hbm>>) target_semaphore(%run_scoped3A_67 : memref<!tpu.dma_semaphore, #tpu.memory_space<semaphore_mem>>)
      %dma_wait3A_73 = arith.constant 0 : i32
      %dma_wait3A_74 = tpu.memref_slice %arg5[%arg0, %mul3A_66, %dma_wait3A_73] : memref<2x10240x128xf32, #tpu.memory_space<hbm>> -> memref<1x640x128xf32, #tpu.memory_space<hbm>>
      %dma_wait3A_75 = tpu.memref_squeeze %dma_wait3A_74 : memref<1x640x128xf32, #tpu.memory_space<hbm>> -> memref<640x128xf32, #tpu.memory_space<hbm>>
      %dma_wait3A_76 = arith.constant 0 : i32
      %dma_wait3A_77 = tpu.memref_slice %arg10[%mul3A_64, %dma_wait3A_76] : memref<10240x128xf32, #tpu.memory_space<vmem_shared>> -> memref<640x128xf32, #tpu.memory_space<vmem_shared>>
      tpu.wait_dma2 semaphore(%run_scoped3A_67 : memref<!tpu.dma_semaphore, #tpu.memory_space<semaphore_mem>>) src(%dma_wait3A_77 : memref<640x128xf32, #tpu.memory_space<vmem_shared>>) dst(%dma_wait3A_75 : memref<640x128xf32, #tpu.memory_space<hbm>>)
      tpu.yield
    }) : () -> ()
    return
  }
}

#map = affine_map<(d0, d1) -> (0, 0, 0)>
#map1 = affine_map<(d0, d1) -> (0, 0)>
module attributes {stable_mosaic.version = 14 : i64} {
  func.func @deg_kernel(%arg0: i32, %arg1: i32, %arg2: memref<32x40x128xi32, #tpu.memory_space<hbm>>, %arg3: memref<2x10240xf32, #tpu.memory_space<hbm>>, %arg4: memref<40x128xi32, #tpu.memory_space<vmem>>, %arg5: memref<128xf32, #tpu.memory_space<vmem>>, %arg6: memref<640xf32, #tpu.memory_space<vmem>>, %arg7: memref<10240xf32, #tpu.memory_space<vmem_shared>>) attributes {dimension_semantics = [#tpu.dimension_semantics<core_parallel>, #tpu.dimension_semantics<subcore_parallel>], iteration_bounds = array<i64: 2, 16>, scalar_prefetch = 0 : i64, scratch_operands = 4 : i64, tpu.core_type = #tpu.core_type<sc_vector_subcore>, window_params = [{transform_indices = #map}, {transform_indices = #map1}]} {
    %mul3A = arith.constant 2 : i32
    %mul3A_0 = arith.muli %arg1, %mul3A : i32
    %add3A = arith.addi %mul3A_0, %arg0 : i32
    %broadcast_in_dim3A = arith.constant 0.000000e+00 : f32
    %broadcast_in_dim3A_1 = vector.broadcast %broadcast_in_dim3A : f32 to vector<16xf32>
    %scan3A = arith.constant 0 : i32
    %scan3A_2 = arith.constant 0 : i32
    %scan3A_3 = arith.constant 40 : i32
    %scan3A_4 = arith.addi %scan3A_2, %scan3A_3 : i32
    %scan3A_5 = arith.constant 1 : i32
    %scan3A_6 = scf.for %scan3A_29 = %scan3A_2 to %scan3A_4 step %scan3A_5 iter_args(%scan3A_30 = %scan3A) -> (i32)  : i32 {
      %mul3A_31 = arith.constant 16 : i32
      %mul3A_32 = arith.muli %scan3A_29, %mul3A_31 : i32
      %swap3A = arith.index_cast %mul3A_32 : i32 to index
      %swap3A_33 = tpu.vector_load %arg6[%swap3A] {strides = array<i32>} : memref<640xf32, #tpu.memory_space<vmem>>, vector<16xf32>,
      %swap3A_34 = vector.shape_cast %swap3A_33 : vector<16xf32> to vector<16xf32>
      %swap3A_35 = vector.shape_cast %broadcast_in_dim3A_1 : vector<16xf32> to vector<16xf32>
      tpu.vector_store %arg6[%swap3A], %swap3A_35 {strides = array<i32>} : memref<640xf32, #tpu.memory_space<vmem>>, vector<16xf32>,
      %scan3A_36 = arith.constant 0 : i32
      scf.yield %scan3A_36 : i32
    }
    %scan3A_7 = arith.constant 40 : i32
    %mul3A_8 = arith.constant 640 : i32
    %mul3A_9 = arith.muli %arg1, %mul3A_8 : i32
    "tpu.region"() ({
      %run_scoped3A = tpu.sem_alloc : memref<!tpu.dma_semaphore, #tpu.memory_space<semaphore_mem>>
      %dma_start3A = tpu.memref_slice %arg7[%mul3A_9] : memref<10240xf32, #tpu.memory_space<vmem_shared>> -> memref<640xf32, #tpu.memory_space<vmem_shared>>
      %dma_start3A_29 = tpu.memref_slice %arg7[%mul3A_9] : memref<10240xf32, #tpu.memory_space<vmem_shared>> -> memref<640xf32, #tpu.memory_space<vmem_shared>>
      tpu.enqueue_dma source(%arg6 : memref<640xf32, #tpu.memory_space<vmem>>) target(%dma_start3A_29 : memref<640xf32, #tpu.memory_space<vmem_shared>>) target_semaphore(%run_scoped3A : memref<!tpu.dma_semaphore, #tpu.memory_space<semaphore_mem>>)
      %dma_wait3A = tpu.memref_slice %arg7[%mul3A_9] : memref<10240xf32, #tpu.memory_space<vmem_shared>> -> memref<640xf32, #tpu.memory_space<vmem_shared>>
      %dma_wait3A_30 = tpu.memref_slice %arg7[%mul3A_9] : memref<10240xf32, #tpu.memory_space<vmem_shared>> -> memref<640xf32, #tpu.memory_space<vmem_shared>>
      tpu.wait_dma2 semaphore(%run_scoped3A : memref<!tpu.dma_semaphore, #tpu.memory_space<semaphore_mem>>) src(%arg6 : memref<640xf32, #tpu.memory_space<vmem>>) dst(%dma_wait3A_30 : memref<640xf32, #tpu.memory_space<vmem_shared>>)
      tpu.yield
    }) : () -> ()
    %scan3A_10 = arith.constant 0 : i32
    %scan3A_11 = arith.constant 0 : i32
    %scan3A_12 = arith.constant 8 : i32
    %scan3A_13 = arith.addi %scan3A_11, %scan3A_12 : i32
    %scan3A_14 = arith.constant 1 : i32
    %scan3A_15 = scf.for %scan3A_29 = %scan3A_11 to %scan3A_13 step %scan3A_14 iter_args(%scan3A_30 = %scan3A_10) -> (i32)  : i32 {
      %broadcast_in_dim3A_31 = arith.constant 1.000000e+00 : f32
      %broadcast_in_dim3A_32 = vector.broadcast %broadcast_in_dim3A_31 : f32 to vector<16xf32>
      %mul3A_33 = arith.constant 16 : i32
      %mul3A_34 = arith.muli %scan3A_29, %mul3A_33 : i32
      %swap3A = arith.index_cast %mul3A_34 : i32 to index
      %swap3A_35 = tpu.vector_load %arg5[%swap3A] {strides = array<i32>} : memref<128xf32, #tpu.memory_space<vmem>>, vector<16xf32>,
      %swap3A_36 = vector.shape_cast %swap3A_35 : vector<16xf32> to vector<16xf32>
      %swap3A_37 = vector.shape_cast %broadcast_in_dim3A_32 : vector<16xf32> to vector<16xf32>
      tpu.vector_store %arg5[%swap3A], %swap3A_37 {strides = array<i32>} : memref<128xf32, #tpu.memory_space<vmem>>, vector<16xf32>,
      %scan3A_38 = arith.constant 0 : i32
      scf.yield %scan3A_38 : i32
    }
    %scan3A_16 = arith.constant 8 : i32
    "tpu.region"() ({
      %run_scoped3A = tpu.sem_alloc : memref<!tpu.dma_semaphore, #tpu.memory_space<semaphore_mem>>
      %dma_start3A = arith.constant 0 : i32
      %dma_start3A_29 = arith.constant 0 : i32
      %dma_start3A_30 = tpu.memref_slice %arg2[%add3A, %dma_start3A, %dma_start3A_29] : memref<32x40x128xi32, #tpu.memory_space<hbm>> -> memref<1x40x128xi32, #tpu.memory_space<hbm>>
      %dma_start3A_31 = tpu.memref_squeeze %dma_start3A_30 : memref<1x40x128xi32, #tpu.memory_space<hbm>> -> memref<40x128xi32, #tpu.memory_space<hbm>>
      %dma_start3A_32 = arith.constant 0 : i32
      %dma_start3A_33 = arith.constant 0 : i32
      %dma_start3A_34 = tpu.memref_slice %arg2[%add3A, %dma_start3A_32, %dma_start3A_33] : memref<32x40x128xi32, #tpu.memory_space<hbm>> -> memref<1x40x128xi32, #tpu.memory_space<hbm>>
      %dma_start3A_35 = tpu.memref_squeeze %dma_start3A_34 : memref<1x40x128xi32, #tpu.memory_space<hbm>> -> memref<40x128xi32, #tpu.memory_space<hbm>>
      tpu.enqueue_dma source(%dma_start3A_35 : memref<40x128xi32, #tpu.memory_space<hbm>>) target(%arg4 : memref<40x128xi32, #tpu.memory_space<vmem>>) target_semaphore(%run_scoped3A : memref<!tpu.dma_semaphore, #tpu.memory_space<semaphore_mem>>)
      %dma_wait3A = arith.constant 0 : i32
      %dma_wait3A_36 = arith.constant 0 : i32
      %dma_wait3A_37 = tpu.memref_slice %arg2[%add3A, %dma_wait3A, %dma_wait3A_36] : memref<32x40x128xi32, #tpu.memory_space<hbm>> -> memref<1x40x128xi32, #tpu.memory_space<hbm>>
      %dma_wait3A_38 = tpu.memref_squeeze %dma_wait3A_37 : memref<1x40x128xi32, #tpu.memory_space<hbm>> -> memref<40x128xi32, #tpu.memory_space<hbm>>
      %dma_wait3A_39 = arith.constant 0 : i32
      %dma_wait3A_40 = arith.constant 0 : i32
      %dma_wait3A_41 = tpu.memref_slice %arg2[%add3A, %dma_wait3A_39, %dma_wait3A_40] : memref<32x40x128xi32, #tpu.memory_space<hbm>> -> memref<1x40x128xi32, #tpu.memory_space<hbm>>
      %dma_wait3A_42 = tpu.memref_squeeze %dma_wait3A_41 : memref<1x40x128xi32, #tpu.memory_space<hbm>> -> memref<40x128xi32, #tpu.memory_space<hbm>>
      tpu.wait_dma2 semaphore(%run_scoped3A : memref<!tpu.dma_semaphore, #tpu.memory_space<semaphore_mem>>) src(%dma_wait3A_42 : memref<40x128xi32, #tpu.memory_space<hbm>>) dst(%arg4 : memref<40x128xi32, #tpu.memory_space<vmem>>)
      tpu.yield
    }) : () -> ()
    %barrier3A = arith.constant 0 : index
    tpu.barrier barrier_id(%barrier3A)
    %scan3A_17 = arith.constant 0 : i32
    %scan3A_18 = arith.constant 0 : i32
    %scan3A_19 = arith.constant 40 : i32
    %scan3A_20 = arith.addi %scan3A_18, %scan3A_19 : i32
    %scan3A_21 = arith.constant 1 : i32
    %scan3A_22 = scf.for %scan3A_29 = %scan3A_18 to %scan3A_20 step %scan3A_21 iter_args(%scan3A_30 = %scan3A_17) -> (i32)  : i32 {
      "tpu.region"() ({
        %run_scoped3A = tpu.sem_alloc : memref<!tpu.dma_semaphore, #tpu.memory_space<semaphore_mem>>
        %dma_start3A = arith.constant 0 : i32
        %dma_start3A_32 = tpu.memref_slice %arg4[%scan3A_29, %dma_start3A] : memref<40x128xi32, #tpu.memory_space<vmem>> -> memref<1x128xi32, #tpu.memory_space<vmem>>
        %dma_start3A_33 = tpu.memref_squeeze %dma_start3A_32 : memref<1x128xi32, #tpu.memory_space<vmem>> -> memref<128xi32, #tpu.memory_space<vmem>>
        %dma_start3A_34 = arith.constant 0 : i32
        %dma_start3A_35 = tpu.memref_slice %arg7[%dma_start3A_34] : memref<10240xf32, #tpu.memory_space<vmem_shared>> -> memref<10240xf32, #tpu.memory_space<vmem_shared>>
        tpu.enqueue_indirect_dma source(%arg5 : memref<128xf32, #tpu.memory_space<vmem>>) target(%dma_start3A_35 : memref<10240xf32, #tpu.memory_space<vmem_shared>>) offsets(%dma_start3A_33 : memref<128xi32, #tpu.memory_space<vmem>>) semaphore(%run_scoped3A : memref<!tpu.dma_semaphore, #tpu.memory_space<semaphore_mem>>) {add = true}
        %dma_wait3A = arith.constant 0 : i32
        %dma_wait3A_36 = tpu.memref_slice %arg4[%scan3A_29, %dma_wait3A] : memref<40x128xi32, #tpu.memory_space<vmem>> -> memref<1x128xi32, #tpu.memory_space<vmem>>
        %dma_wait3A_37 = tpu.memref_squeeze %dma_wait3A_36 : memref<1x128xi32, #tpu.memory_space<vmem>> -> memref<128xi32, #tpu.memory_space<vmem>>
        %dma_wait3A_38 = arith.constant 0 : i32
        %dma_wait3A_39 = tpu.memref_slice %arg7[%dma_wait3A_38] : memref<10240xf32, #tpu.memory_space<vmem_shared>> -> memref<10240xf32, #tpu.memory_space<vmem_shared>>
        tpu.wait_indirect_dma semaphore(%run_scoped3A : memref<!tpu.dma_semaphore, #tpu.memory_space<semaphore_mem>>) src(%arg5 : memref<128xf32, #tpu.memory_space<vmem>>) dst(%dma_wait3A_39 : memref<10240xf32, #tpu.memory_space<vmem_shared>>)
        tpu.yield
      }) : () -> ()
      %scan3A_31 = arith.constant 0 : i32
      scf.yield %scan3A_31 : i32
    }
    %scan3A_23 = arith.constant 40 : i32
    %barrier3A_24 = arith.constant 0 : index
    tpu.barrier barrier_id(%barrier3A_24)
    %mul3A_25 = arith.constant 640 : i32
    %mul3A_26 = arith.muli %arg1, %mul3A_25 : i32
    %mul3A_27 = arith.constant 640 : i32
    %mul3A_28 = arith.muli %arg1, %mul3A_27 : i32
    "tpu.region"() ({
      %run_scoped3A = tpu.sem_alloc : memref<!tpu.dma_semaphore, #tpu.memory_space<semaphore_mem>>
      %dma_start3A = tpu.memref_slice %arg3[%arg0, %mul3A_28] : memref<2x10240xf32, #tpu.memory_space<hbm>> -> memref<1x640xf32, #tpu.memory_space<hbm>>
      %dma_start3A_29 = tpu.memref_squeeze %dma_start3A : memref<1x640xf32, #tpu.memory_space<hbm>> -> memref<640xf32, #tpu.memory_space<hbm>>
      %dma_start3A_30 = tpu.memref_slice %arg7[%mul3A_26] : memref<10240xf32, #tpu.memory_space<vmem_shared>> -> memref<640xf32, #tpu.memory_space<vmem_shared>>
      tpu.enqueue_dma source(%dma_start3A_30 : memref<640xf32, #tpu.memory_space<vmem_shared>>) target(%dma_start3A_29 : memref<640xf32, #tpu.memory_space<hbm>>) target_semaphore(%run_scoped3A : memref<!tpu.dma_semaphore, #tpu.memory_space<semaphore_mem>>)
      %dma_wait3A = tpu.memref_slice %arg3[%arg0, %mul3A_28] : memref<2x10240xf32, #tpu.memory_space<hbm>> -> memref<1x640xf32, #tpu.memory_space<hbm>>
      %dma_wait3A_31 = tpu.memref_squeeze %dma_wait3A : memref<1x640xf32, #tpu.memory_space<hbm>> -> memref<640xf32, #tpu.memory_space<hbm>>
      %dma_wait3A_32 = tpu.memref_slice %arg7[%mul3A_26] : memref<10240xf32, #tpu.memory_space<vmem_shared>> -> memref<640xf32, #tpu.memory_space<vmem_shared>>
      tpu.wait_dma2 semaphore(%run_scoped3A : memref<!tpu.dma_semaphore, #tpu.memory_space<semaphore_mem>>) src(%dma_wait3A_32 : memref<640xf32, #tpu.memory_space<vmem_shared>>) dst(%dma_wait3A_31 : memref<640xf32, #tpu.memory_space<hbm>>)
      tpu.yield
    }) : () -> ()
    return
  }
}

module attributes {stable_mosaic.version = 14 : i64} {
  func.func @_prep1_body(%arg0: i32, %arg1: memref<2000x128xf32, #tpu.memory_space<vmem>>, %arg2: memref<128x128xf32, #tpu.memory_space<vmem>>, %arg3: memref<128x128xf32, #tpu.memory_space<vmem>>, %arg4: memref<1x1xf32, #tpu.memory_space<smem>>, %arg5: memref<2000x128xf32, #tpu.memory_space<vmem>>, %arg6: memref<2000x128xf32, #tpu.memory_space<vmem>>) attributes {dimension_semantics = [#tpu.dimension_semantics<arbitrary>], iteration_bounds = array<i64: 5>, scalar_prefetch = 0 : i64, scratch_operands = 0 : i64, tpu.core_type = #tpu.core_type<tc>, window_params = [{transform_indices = @transform_0, window_bounds = array<i64: 2000, 128>}, {pipeline_mode = #tpu.pipeline_mode<synchronous>, transform_indices = @transform_1, window_bounds = array<i64: 128, 128>}, {pipeline_mode = #tpu.pipeline_mode<synchronous>, transform_indices = @transform_2, window_bounds = array<i64: 128, 128>}, {transform_indices = @transform_3, window_bounds = array<i64: 1, 1>}, {transform_indices = @transform_4, window_bounds = array<i64: 2000, 128>}, {transform_indices = @transform_5, window_bounds = array<i64: 2000, 128>}]} {
    %get3A = arith.constant 0 : index
    %get3A_0 = arith.constant 0 : index
    %get3A_1 = vector.load %arg1[%get3A, %get3A_0] : memref<2000x128xf32, #tpu.memory_space<vmem>>, vector<2000x128xf32>
    %get3A_2 = arith.constant 0 : index
    %get3A_3 = arith.constant 0 : index
    %get3A_4 = vector.load %arg2[%get3A_2, %get3A_3] : memref<128x128xf32, #tpu.memory_space<vmem>>, vector<128x128xf32>
    %dot_general3A = arith.constant dense<0.000000e+00> : vector<2000x128xf32>
    %dot_general3A_5 = tpu.matmul %get3A_1, %get3A_4, %dot_general3A {dimension_numbers = #tpu.dot_dimension_numbers<[1], [1], [0], [0], [0, 0, 1, 0], [], []>, transpose_lhs_hint = false} : vector<2000x128xf32>, vector<128x128xf32>, vector<2000x128xf32> -> vector<2000x128xf32>
    %get3A_6 = arith.constant 0 : index
    %get3A_7 = arith.constant 0 : index
    %get3A_8 = memref.load %arg4[%get3A_6, %get3A_7] : memref<1x1xf32, #tpu.memory_space<smem>>
    %max3A = arith.constant 0.000000e+00 : f32
    %max3A_9 = vector.broadcast %max3A : f32 to vector<2000x128xf32>
    %max3A_10 = arith.maximumf %dot_general3A_5, %max3A_9 : vector<2000x128xf32>
    %mul3A = vector.broadcast %get3A_8 : f32 to vector<2000x128xf32>
    %mul3A_11 = arith.mulf %mul3A, %max3A_10 : vector<2000x128xf32>
    %swap3A = arith.constant 0 : index
    %swap3A_12 = arith.constant 0 : index
    %swap3A_13 = vector.load %arg5[%swap3A, %swap3A_12] : memref<2000x128xf32, #tpu.memory_space<vmem>>, vector<2000x128xf32>
    tpu.vector_store %arg5[%swap3A, %swap3A_12], %mul3A_11 {strides = array<i32>} : memref<2000x128xf32, #tpu.memory_space<vmem>>, vector<2000x128xf32>,
    %get3A_14 = arith.constant 0 : index
    %get3A_15 = arith.constant 0 : index
    %get3A_16 = vector.load %arg3[%get3A_14, %get3A_15] : memref<128x128xf32, #tpu.memory_space<vmem>>, vector<128x128xf32>
    %dot_general3A_17 = arith.constant dense<0.000000e+00> : vector<2000x128xf32>
    %dot_general3A_18 = tpu.matmul %get3A_1, %get3A_16, %dot_general3A_17 {dimension_numbers = #tpu.dot_dimension_numbers<[1], [1], [0], [0], [0, 0, 1, 0], [], []>, transpose_lhs_hint = false} : vector<2000x128xf32>, vector<128x128xf32>, vector<2000x128xf32> -> vector<2000x128xf32>
    %swap3A_19 = arith.constant 0 : index
    %swap3A_20 = arith.constant 0 : index
    %swap3A_21 = vector.load %arg6[%swap3A_19, %swap3A_20] : memref<2000x128xf32, #tpu.memory_space<vmem>>, vector<2000x128xf32>
    tpu.vector_store %arg6[%swap3A_19, %swap3A_20], %dot_general3A_18 {strides = array<i32>} : memref<2000x128xf32, #tpu.memory_space<vmem>>, vector<2000x128xf32>,
    return
  }
  func.func @transform_0(%arg0: i32) -> (i32, i32) {
    %c0_i32 = arith.constant 0 : i32
    %c0_i32_0 = arith.constant 0 : i32
    return %arg0, %c0_i32 : i32, i32
  }
  func.func @transform_1(%arg0: i32) -> (i32, i32) {
    %c0_i32 = arith.constant 0 : i32
    %c0_i32_0 = arith.constant 0 : i32
    %c0_i32_1 = arith.constant 0 : i32
    return %c0_i32, %c0_i32_0 : i32, i32
  }
  func.func @transform_2(%arg0: i32) -> (i32, i32) {
    %c0_i32 = arith.constant 0 : i32
    %c0_i32_0 = arith.constant 0 : i32
    %c0_i32_1 = arith.constant 0 : i32
    return %c0_i32, %c0_i32_0 : i32, i32
  }
  func.func @transform_3(%arg0: i32) -> (i32, i32) {
    %c0_i32 = arith.constant 0 : i32
    %c0_i32_0 = arith.constant 0 : i32
    %c0_i32_1 = arith.constant 0 : i32
    return %c0_i32, %c0_i32_0 : i32, i32
  }
  func.func @transform_4(%arg0: i32) -> (i32, i32) {
    %c0_i32 = arith.constant 0 : i32
    %c0_i32_0 = arith.constant 0 : i32
    return %arg0, %c0_i32 : i32, i32
  }
  func.func @transform_5(%arg0: i32) -> (i32, i32) {
    %c0_i32 = arith.constant 0 : i32
    %c0_i32_0 = arith.constant 0 : i32
    return %arg0, %c0_i32 : i32, i32
  }
}

module attributes {stable_mosaic.version = 14 : i64} {
  func.func @_prep2_body(%arg0: i32, %arg1: memref<2000x2xf32, #tpu.memory_space<vmem>>, %arg2: memref<2000x128xf32, #tpu.memory_space<vmem>>, %arg3: memref<1x1xf32, #tpu.memory_space<smem>>, %arg4: memref<2000x128xf32, #tpu.memory_space<vmem>>, %arg5: memref<2000x1xf32, #tpu.memory_space<vmem>>) attributes {dimension_semantics = [#tpu.dimension_semantics<arbitrary>], iteration_bounds = array<i64: 5>, scalar_prefetch = 0 : i64, scratch_operands = 0 : i64, tpu.core_type = #tpu.core_type<tc>, window_params = [{transform_indices = @transform_0, window_bounds = array<i64: 2000, 2>}, {transform_indices = @transform_1, window_bounds = array<i64: 2000, 128>}, {transform_indices = @transform_2, window_bounds = array<i64: 1, 1>}, {transform_indices = @transform_3, window_bounds = array<i64: 2000, 128>}, {transform_indices = @transform_4, window_bounds = array<i64: 2000, 1>}]} {
    %get3A = arith.constant 0 : index
    %get3A_0 = arith.constant 0 : index
    %get3A_1 = vector.load %arg1[%get3A, %get3A_0] : memref<2000x2xf32, #tpu.memory_space<vmem>>, vector<2000x1xf32>
    %get3A_2 = arith.constant 0 : index
    %get3A_3 = arith.constant 1 : index
    %get3A_4 = vector.load %arg1[%get3A_2, %get3A_3] : memref<2000x2xf32, #tpu.memory_space<vmem>>, vector<2000x1xf32>
    %add3A = arith.addf %get3A_1, %get3A_4 : vector<2000x1xf32>
    %add3A_5 = arith.constant 1.000000e+00 : f32
    %add3A_6 = vector.broadcast %add3A_5 : f32 to vector<2000x1xf32>
    %add3A_7 = arith.addf %add3A, %add3A_6 : vector<2000x1xf32>
    %rsqrt3A = math.rsqrt %add3A_7 : vector<2000x1xf32>
    %swap3A = arith.constant 0 : index
    %swap3A_8 = arith.constant 0 : index
    %swap3A_9 = vector.load %arg5[%swap3A, %swap3A_8] : memref<2000x1xf32, #tpu.memory_space<vmem>>, vector<2000x1xf32>
    tpu.vector_store %arg5[%swap3A, %swap3A_8], %rsqrt3A {strides = array<i32>} : memref<2000x1xf32, #tpu.memory_space<vmem>>, vector<2000x1xf32>,
    %get3A_10 = arith.constant 0 : index
    %get3A_11 = arith.constant 0 : index
    %get3A_12 = memref.load %arg3[%get3A_10, %get3A_11] : memref<1x1xf32, #tpu.memory_space<smem>>
    %mul3A = vector.broadcast %get3A_12 : f32 to vector<2000x1xf32>
    %mul3A_13 = arith.mulf %mul3A, %rsqrt3A : vector<2000x1xf32>
    %get3A_14 = arith.constant 0 : index
    %get3A_15 = arith.constant 0 : index
    %get3A_16 = vector.load %arg2[%get3A_14, %get3A_15] : memref<2000x128xf32, #tpu.memory_space<vmem>>, vector<2000x128xf32>
    %mul3A_17 = vector.broadcast %mul3A_13 : vector<2000x1xf32> to vector<2000x128xf32>
    %mul3A_18 = arith.mulf %mul3A_17, %get3A_16 : vector<2000x128xf32>
    %swap3A_19 = arith.constant 0 : index
    %swap3A_20 = arith.constant 0 : index
    %swap3A_21 = vector.load %arg4[%swap3A_19, %swap3A_20] : memref<2000x128xf32, #tpu.memory_space<vmem>>, vector<2000x128xf32>
    tpu.vector_store %arg4[%swap3A_19, %swap3A_20], %mul3A_18 {strides = array<i32>} : memref<2000x128xf32, #tpu.memory_space<vmem>>, vector<2000x128xf32>,
    return
  }
  func.func @transform_0(%arg0: i32) -> (i32, i32) {
    %c0_i32 = arith.constant 0 : i32
    %c0_i32_0 = arith.constant 0 : i32
    return %arg0, %c0_i32 : i32, i32
  }
  func.func @transform_1(%arg0: i32) -> (i32, i32) {
    %c0_i32 = arith.constant 0 : i32
    %c0_i32_0 = arith.constant 0 : i32
    return %arg0, %c0_i32 : i32, i32
  }
  func.func @transform_2(%arg0: i32) -> (i32, i32) {
    %c0_i32 = arith.constant 0 : i32
    %c0_i32_0 = arith.constant 0 : i32
    %c0_i32_1 = arith.constant 0 : i32
    return %c0_i32, %c0_i32_0 : i32, i32
  }
  func.func @transform_3(%arg0: i32) -> (i32, i32) {
    %c0_i32 = arith.constant 0 : i32
    %c0_i32_0 = arith.constant 0 : i32
    return %arg0, %c0_i32 : i32, i32
  }
  func.func @transform_4(%arg0: i32) -> (i32, i32) {
    %c0_i32 = arith.constant 0 : i32
    %c0_i32_0 = arith.constant 0 : i32
    return %arg0, %c0_i32 : i32, i32
  }
}

module attributes {stable_mosaic.version = 14 : i64} {
  func.func @_mm_body(%arg0: i32, %arg1: memref<400x10000xf32, #tpu.memory_space<vmem>>, %arg2: memref<10000x128xf32, #tpu.memory_space<vmem>>, %arg3: memref<400x128xf32, #tpu.memory_space<vmem>>) attributes {dimension_semantics = [#tpu.dimension_semantics<arbitrary>], iteration_bounds = array<i64: 25>, scalar_prefetch = 0 : i64, scratch_operands = 0 : i64, tpu.core_type = #tpu.core_type<tc>, window_params = [{transform_indices = @transform_0, window_bounds = array<i64: 400, 10000>}, {pipeline_mode = #tpu.pipeline_mode<synchronous>, transform_indices = @transform_1, window_bounds = array<i64: 10000, 128>}, {transform_indices = @transform_2, window_bounds = array<i64: 400, 128>}]} {
    %get3A = arith.constant 0 : index
    %get3A_0 = arith.constant 0 : index
    %get3A_1 = vector.load %arg1[%get3A, %get3A_0] : memref<400x10000xf32, #tpu.memory_space<vmem>>, vector<400x10000xf32>
    %get3A_2 = arith.constant 0 : index
    %get3A_3 = arith.constant 0 : index
    %get3A_4 = vector.load %arg2[%get3A_2, %get3A_3] : memref<10000x128xf32, #tpu.memory_space<vmem>>, vector<10000x128xf32>
    %dot_general3A = arith.constant dense<0.000000e+00> : vector<400x128xf32>
    %dot_general3A_5 = tpu.matmul %get3A_1, %get3A_4, %dot_general3A {dimension_numbers = #tpu.dot_dimension_numbers<[1], [0], [0], [1], [0, 0, 1, 1], [], []>, transpose_lhs_hint = false} : vector<400x10000xf32>, vector<10000x128xf32>, vector<400x128xf32> -> vector<400x128xf32>
    %swap3A = arith.constant 0 : index
    %swap3A_6 = arith.constant 0 : index
    %swap3A_7 = vector.load %arg3[%swap3A, %swap3A_6] : memref<400x128xf32, #tpu.memory_space<vmem>>, vector<400x128xf32>
    tpu.vector_store %arg3[%swap3A, %swap3A_6], %dot_general3A_5 {strides = array<i32>} : memref<400x128xf32, #tpu.memory_space<vmem>>, vector<400x128xf32>,
    return
  }
  func.func @transform_0(%arg0: i32) -> (i32, i32) {
    %c0_i32 = arith.constant 0 : i32
    %c0_i32_0 = arith.constant 0 : i32
    return %arg0, %c0_i32 : i32, i32
  }
  func.func @transform_1(%arg0: i32) -> (i32, i32) {
    %c0_i32 = arith.constant 0 : i32
    %c0_i32_0 = arith.constant 0 : i32
    %c0_i32_1 = arith.constant 0 : i32
    return %c0_i32, %c0_i32_0 : i32, i32
  }
  func.func @transform_2(%arg0: i32) -> (i32, i32) {
    %c0_i32 = arith.constant 0 : i32
    %c0_i32_0 = arith.constant 0 : i32
    return %arg0, %c0_i32 : i32, i32
  }
}

module attributes {stable_mosaic.version = 14 : i64} {
  func.func @_combine_body(%arg0: i32, %arg1: memref<2000x128xf32, #tpu.memory_space<vmem>>, %arg2: memref<2000x128xf32, #tpu.memory_space<vmem>>, %arg3: memref<2000x128xf32, #tpu.memory_space<vmem>>, %arg4: memref<2000x128xf32, #tpu.memory_space<vmem>>, %arg5: memref<2000x1xf32, #tpu.memory_space<vmem>>, %arg6: memref<1x128xf32, #tpu.memory_space<vmem>>, %arg7: memref<1x1xf32, #tpu.memory_space<smem>>, %arg8: memref<2000x128xf32, #tpu.memory_space<vmem>>) attributes {dimension_semantics = [#tpu.dimension_semantics<arbitrary>], iteration_bounds = array<i64: 5>, scalar_prefetch = 0 : i64, scratch_operands = 0 : i64, tpu.core_type = #tpu.core_type<tc>, window_params = [{transform_indices = @transform_0, window_bounds = array<i64: 2000, 128>}, {transform_indices = @transform_1, window_bounds = array<i64: 2000, 128>}, {transform_indices = @transform_2, window_bounds = array<i64: 2000, 128>}, {transform_indices = @transform_3, window_bounds = array<i64: 2000, 128>}, {transform_indices = @transform_4, window_bounds = array<i64: 2000, 1>}, {pipeline_mode = #tpu.pipeline_mode<synchronous>, transform_indices = @transform_5, window_bounds = array<i64: 1, 128>}, {transform_indices = @transform_6, window_bounds = array<i64: 1, 1>}, {transform_indices = @transform_7, window_bounds = array<i64: 2000, 128>}]} {
    %get3A = arith.constant 0 : index
    %get3A_0 = arith.constant 0 : index
    %get3A_1 = vector.load %arg5[%get3A, %get3A_0] : memref<2000x1xf32, #tpu.memory_space<vmem>>, vector<2000x1xf32>
    %get3A_2 = arith.constant 0 : index
    %get3A_3 = arith.constant 0 : index
    %get3A_4 = vector.load %arg2[%get3A_2, %get3A_3] : memref<2000x128xf32, #tpu.memory_space<vmem>>, vector<2000x128xf32>
    %get3A_5 = arith.constant 0 : index
    %get3A_6 = arith.constant 0 : index
    %get3A_7 = vector.load %arg3[%get3A_5, %get3A_6] : memref<2000x128xf32, #tpu.memory_space<vmem>>, vector<2000x128xf32>
    %add3A = arith.addf %get3A_4, %get3A_7 : vector<2000x128xf32>
    %get3A_8 = arith.constant 0 : index
    %get3A_9 = arith.constant 0 : index
    %get3A_10 = vector.load %arg4[%get3A_8, %get3A_9] : memref<2000x128xf32, #tpu.memory_space<vmem>>, vector<2000x128xf32>
    %add3A_11 = arith.addf %add3A, %get3A_10 : vector<2000x128xf32>
    %mul3A = vector.broadcast %get3A_1 : vector<2000x1xf32> to vector<2000x128xf32>
    %mul3A_12 = arith.mulf %mul3A, %add3A_11 : vector<2000x128xf32>
    %get3A_13 = arith.constant 0 : index
    %get3A_14 = arith.constant 0 : index
    %get3A_15 = vector.load %arg1[%get3A_13, %get3A_14] : memref<2000x128xf32, #tpu.memory_space<vmem>>, vector<2000x128xf32>
    %add3A_16 = arith.addf %get3A_15, %mul3A_12 : vector<2000x128xf32>
    %get3A_17 = arith.constant 0 : index
    %get3A_18 = arith.constant 0 : index
    %get3A_19 = memref.load %arg7[%get3A_17, %get3A_18] : memref<1x1xf32, #tpu.memory_space<smem>>
    %get3A_20 = arith.constant 0 : index
    %get3A_21 = arith.constant 0 : index
    %get3A_22 = vector.load %arg6[%get3A_20, %get3A_21] : memref<1x128xf32, #tpu.memory_space<vmem>>, vector<1x128xf32>
    %mul3A_23 = vector.broadcast %get3A_19 : f32 to vector<1x128xf32>
    %mul3A_24 = arith.mulf %mul3A_23, %get3A_22 : vector<1x128xf32>
    %add3A_25 = vector.broadcast %mul3A_24 : vector<1x128xf32> to vector<2000x128xf32>
    %add3A_26 = arith.addf %add3A_16, %add3A_25 : vector<2000x128xf32>
    %swap3A = arith.constant 0 : index
    %swap3A_27 = arith.constant 0 : index
    %swap3A_28 = vector.load %arg8[%swap3A, %swap3A_27] : memref<2000x128xf32, #tpu.memory_space<vmem>>, vector<2000x128xf32>
    tpu.vector_store %arg8[%swap3A, %swap3A_27], %add3A_26 {strides = array<i32>} : memref<2000x128xf32, #tpu.memory_space<vmem>>, vector<2000x128xf32>,
    return
  }
  func.func @transform_0(%arg0: i32) -> (i32, i32) {
    %c0_i32 = arith.constant 0 : i32
    %c0_i32_0 = arith.constant 0 : i32
    return %arg0, %c0_i32 : i32, i32
  }
  func.func @transform_1(%arg0: i32) -> (i32, i32) {
    %c0_i32 = arith.constant 0 : i32
    %c0_i32_0 = arith.constant 0 : i32
    return %arg0, %c0_i32 : i32, i32
  }
  func.func @transform_2(%arg0: i32) -> (i32, i32) {
    %c0_i32 = arith.constant 0 : i32
    %c0_i32_0 = arith.constant 0 : i32
    return %arg0, %c0_i32 : i32, i32
  }
  func.func @transform_3(%arg0: i32) -> (i32, i32) {
    %c0_i32 = arith.constant 0 : i32
    %c0_i32_0 = arith.constant 0 : i32
    return %arg0, %c0_i32 : i32, i32
  }
  func.func @transform_4(%arg0: i32) -> (i32, i32) {
    %c0_i32 = arith.constant 0 : i32
    %c0_i32_0 = arith.constant 0 : i32
    return %arg0, %c0_i32 : i32, i32
  }
  func.func @transform_5(%arg0: i32) -> (i32, i32) {
    %c0_i32 = arith.constant 0 : i32
    %c0_i32_0 = arith.constant 0 : i32
    %c0_i32_1 = arith.constant 0 : i32
    return %c0_i32, %c0_i32_0 : i32, i32
  }
  func.func @transform_6(%arg0: i32) -> (i32, i32) {
    %c0_i32 = arith.constant 0 : i32
    %c0_i32_0 = arith.constant 0 : i32
    %c0_i32_1 = arith.constant 0 : i32
    return %c0_i32, %c0_i32_0 : i32, i32
  }
  func.func @transform_7(%arg0: i32) -> (i32, i32) {
    %c0_i32 = arith.constant 0 : i32
    %c0_i32_0 = arith.constant 0 : i32
    return %arg0, %c0_i32 : i32, i32
  }
}

</mosaic_0001>

<sc_bundles>
// kernel: kernel.11.cloned.1.call-start
scs
__scs_entry_jumppad:
0x0: {  	(pc) =	sbr.rel $0x88, $3  }
0x1: {  	(tag) =	ssettag $0x0;
	lr =	simm.s32 $0x1  }
0x2: {  	[smem:$0x3F99] =	sst lr;
	_ =	strace $0xD0000000  }
0x3: {  	_ = 	snop  }
0x4: {  	_ = 	snop  }
0x5: {  	_ = 	snop  }
0x6: {  	_ = 	snop  }
0x7: {  	_ = 	snop  }
__scs_overlays_trampoline_lowered:
0x8: {  	[smem:$0x3FA8] =	sst s0  }
0x9: {  	[smem:$0x3FA9] =	sst s1  }
0xa: {  	[smem:$0x3FAA] =	sst s2  }
0xb: {  	[smem:$0x3FAB] =	sst s3  }
0xc: {  	[smem:$0x3FAC] =	sst s4  }
0xd: {  	[smem:$0x3FAD] =	sst s5  }
0xe: {  	[smem:$0x3FAE] =	sst s6  }
0xf: {  	[smem:$0x3FAF] =	sst s7  }
0x10: {  	[smem:$0x3FB0] =	sst s8  }
0x11: {  	[smem:$0x3FB1] =	sst s9;
	s0 =	simm.s32 @!p0 $0x0  }
0x12: {  	s1 =	sld [smem:$0x3F97];
	s0 =	simm.s32 @p0 $0x1  }
0x13: {  	[smem:$0x3FB2] =	sst s0;
	s0 =	simm.s32 @!p1 $0x0  }
0x14: {  	s2 =	sld [smem:$0x3F96];
	s0 =	simm.s32 @p1 $0x1  }
0x15: {  	[smem:$0x3FB3] =	sst s0;
	s0 =	simm.s32 @!p2 $0x0  }
0x16: {  	s3 =	sld [smem:$0x3FDB];
	s0 =	simm.s32 @p2 $0x1  }
0x17: {  	s4 =	simm.s32 $0x1BF5;
	[smem:$0x3FB5] =	sst s0  }
0x18: {  	s0 =	sld [smem:$0x3F98];
	_ =	swait.ge [sflag:s4], $0x0  }
0x19: {  	s7 =	sld [smem:$0x3F99]  }
0x1a: {  	s8 =	sadd.s32 $0xFFFFE003, lr  }
0x1b: {  	s9 =	sadd.s32 $0xFFFFFEF7, lr;
	s5 =	simm.s32 $0xFFFFFFFF;
	p2 =	slt.u32 s8, $0xFFFFF086  }
0x1c: {  	p1 =	slt.u32 s9, $0xF7A;
	s5 =	simm.s32 @!p2 $0x0  }
0x1d: {  	s5 =	simm.s32 @p1 $0x1;
	p0 =	seq.s32 s7, s2  }
0x1e: {  	s7 =	smul.u32 @!p0 $0xF7A, s2;
	p2 =	seq.s32 @!p0 s5, $0x0  }
0x1f: {  	s9 =	smul.u32 $0xF7A, s1;
	s8 =	simm.s32 @!p0 $0x1BF5;
	p2 =	por !p2, p0  }
0x20: {  	[sflag:s8] =	ssyncset.s32 @!p0 $0xFFFFF086;
	s6 =	sadd.s32 @!p0 s3, s7;
	s7 =	simm.s32 @!p0 $0x108  }
0x21: {  	s3 =	sadd.s32 s3, s9;
	s6 =	sadd.s32 @!p0 $0x88, s6;
	s7 =	simm.s32 @p2 $0x1082  }
0x22: {  	[simem:s7], [sflag:s8] =	dma.local @!p0 [hbm:s6], $0xF7A  }
0x23: {  	s9 =	sor.u32 $0xD0000000, s2;
	s6 =	simm.s32 $0x108;
	_ =	swait.ge @!p0 [sflag:s8], $0x0  }
0x24: {  	s3 =	sadd.s32 $0x88, s3;
	s6 =	simm.s32 @!p1 $0x1082;
	[sflag:s4] =	ssyncset.s32 $0xFFFFF086  }
0x25: {  	[simem:s6], [sflag:s4] =	dma.local [hbm:s3], $0xF7A  }
0x26: {  	[smem:$0x3F99] =	sst s1;
	(tag) =	ssettag s2;
	_ =	strace s9  }
0x27: {  	s1 =	sld [smem:$0x3FA9]  }
0x28: {  	s2 =	sld [smem:$0x3FAA]  }
0x29: {  	s4 =	sld [smem:$0x3FAC]  }
0x2a: {  	p0 =	seq.s32 s5, $0x0;
	s5 =	sld [smem:$0x3FAD]  }
0x2b: {  	s6 =	sld [smem:$0x3FAE]  }
0x2c: {  	s7 =	sld [smem:$0x3FAF]  }
0x2d: {  	s3 =	simm.s32 $0x108;
	s8 =	sld [smem:$0x3FB0]  }
0x2e: {  	s3 =	simm.s32 @!p0 $0x1082;
	s9 =	sld [smem:$0x3FB1]  }
0x2f: {  	lr =	sadd.s32 s0, s3;
	s0 =	sld [smem:$0x3FA8]  }
0x30: {  	s3 =	sld [smem:$0x3FAB]  }
0x31: {  	[smem:$0x3FB4] =	sst s10  }
0x32: {  	s10 =	sld [smem:$0x3FB2];
	_ =	sdelay $0x3  }
0x33: {  	p0 =	seq.s32 s10, $0x1;
	s10 =	sld [smem:$0x3FB4];
	_ =	sdelay $0x3  }
0x34: {  	[smem:$0x3FB4] =	sst s10  }
0x35: {  	s10 =	sld [smem:$0x3FB3];
	_ =	sdelay $0x3  }
0x36: {  	p1 =	seq.s32 s10, $0x1;
	s10 =	sld [smem:$0x3FB4];
	_ =	sdelay $0x3  }
0x37: {  	[smem:$0x3FB4] =	sst s10  }
0x38: {  	s10 =	sld [smem:$0x3FB5]  }
0x39: {  	_ = 	snop;
	(pc) =	sbr.ind lr, $3  }
0x3a: {  	_ = 	snop  }
0x3b: {  	_ = 	snop  }
0x3c: {  	p2 =	seq.s32 s10, $0x1;
	s10 =	sld [smem:$0x3FB4]  }
0x3d: {  	_ =	shalt  }
0x3e: {  	_ =	shalt  }
0x3f: {  	_ =	shalt  }
0x40: {  	_ =	shalt  }
0x41: {  	_ =	shalt  }
0x42: {  	_ =	shalt  }
0x43: {  	_ =	shalt  }
0x44: {  	_ =	shalt  }
0x45: {  	_ =	shalt  }
0x46: {  	_ =	shalt  }
0x47: {  	_ =	shalt  }
0x48: {  	_ =	shalt  }
0x49: {  	_ =	shalt  }
0x4a: {  	_ =	shalt  }
0x4b: {  	_ =	shalt  }
0x4c: {  	_ =	shalt  }
0x4d: {  	_ =	shalt  }
0x4e: {  	_ =	shalt  }
0x4f: {  	_ =	shalt  }
0x50: {  	_ =	shalt  }
0x51: {  	_ =	shalt  }
0x52: {  	_ =	shalt  }
0x53: {  	_ =	shalt  }
0x54: {  	_ =	shalt  }
0x55: {  	_ =	shalt  }
0x56: {  	_ =	shalt  }
0x57: {  	_ =	shalt  }
0x58: {  	_ =	shalt  }
0x59: {  	_ =	shalt  }
0x5a: {  	_ =	shalt  }
0x5b: {  	_ =	shalt  }
0x5c: {  	_ =	shalt  }
0x5d: {  	_ =	shalt  }
0x5e: {  	_ =	shalt  }
0x5f: {  	_ =	shalt  }
0x60: {  	_ =	shalt  }
0x61: {  	_ =	shalt  }
0x62: {  	_ =	shalt  }
0x63: {  	_ =	shalt  }
0x64: {  	_ =	shalt  }
0x65: {  	_ =	shalt  }
0x66: {  	_ =	shalt  }
0x67: {  	_ =	shalt  }
0x68: {  	_ =	shalt  }
0x69: {  	_ =	shalt  }
0x6a: {  	_ =	shalt  }
0x6b: {  	_ =	shalt  }
0x6c: {  	_ =	shalt  }
0x6d: {  	_ =	shalt  }
0x6e: {  	_ =	shalt  }
0x6f: {  	_ =	shalt  }
0x70: {  	_ =	shalt  }
0x71: {  	_ =	shalt  }
0x72: {  	_ =	shalt  }
0x73: {  	_ =	shalt  }
0x74: {  	_ =	shalt  }
0x75: {  	_ =	shalt  }
0x76: {  	_ =	shalt  }
0x77: {  	_ =	shalt  }
0x78: {  	_ =	shalt  }
0x79: {  	_ =	shalt  }
0x7a: {  	_ =	shalt  }
0x7b: {  	_ =	shalt  }
0x7c: {  	_ =	shalt  }
0x7d: {  	_ =	shalt  }
0x7e: {  	_ =	shalt  }
0x7f: {  	_ =	shalt  }
0x80: {  	_ =	shalt  }
0x81: {  	_ =	shalt  }
0x82: {  	_ =	shalt  }
0x83: {  	_ =	shalt  }
0x84: {  	_ =	shalt  }
0x85: {  	_ =	shalt  }
0x86: {  	_ =	shalt  }
0x87: {  	_ =	shalt  }
.Lfunc_end0:
.L_simem_size_0:
called_computation.1_lowered:
.L_overlay_start_0:
0x88: {  	s2 =	sld [smem:$0x3FD9]  }
0x89: {  	s3 =	sld [smem:$0x3FFE];
	_ =	sdelay $0x1  }
0x8a: {  	s1 =	srdreg.scid  }
0x8b: {  	s0 =	sand.u32 $0x1, s1  }
0x8c: {  	s17 =	sshll.u32 s0, $0xA;
	s2 =	sadd.s32 s3, s2  }
0x8d: {  	s2 =	sadd.s32 s2, s17  }
0x8e: {  	[smem:$0x3FC0] =	sst s2  }
0x8f: {  	_ = 	snop  }
0x90: {  	s2 =	sld [smem:$0x3FD0];
	(tm) =	ssettm $0x1  }
0x91: {  	s18 =	sld [smem:$0x3FFB];
	_ =	sdelay $0x3  }
0x92: {  	_ =	strace s18  }
0x93: {  	s3 =	sld [smem:$0x3FFC];
	_ =	sdelay $0x3  }
0x94: {  	_ =	strace s3  }
0x95: {  	s3 =	sld [smem:$0x3FFD];
	_ =	sdelay $0x3  }
0x96: {  	_ =	strace s3  }
0x97: {  	_ =	strace $0x8FFFFFFF  }
0x98: {  	s19 =	sld [smem:$0x3FDB];
	_ =	sdelay $0x1  }
0x99: {  	s4 =	simm.s32 $_scs_section_size  }
0x9a: {  	s5 =	simm.s32 $_size__tile_overlayer_lowered;
	s6 =	simm.s32 $_tile_overlayer_lowered  }
0x9b: {  	s22 =	simm.s32 $0x1BFF;
	s21 =	sshll.u32 s6, $0x1;
	s3 =	sadd.s32 s4, s19  }
0x9c: {  	s7 =	simm.s32 $0x0;
	s20 =	sshll.u32 s5, $0x1;
	s5 =	sadd.s32 s21, s3  }
0x9d: {  	[timem:s7], [sflag:s22] =	dma.local [hbm:s5], s20  }
0x9e: {  	_ =	swait.ge [sflag:s22], s20  }
0x9f: {  	s4 =	ssub.s32 $0x0, s20;
	[sflag:s22] =	ssyncset.done $0x0  }
0xa0: {  	[sflag:s22] =	ssyncadd.s32 s4;
	_ =	sdelay $0x1  }
0xa1: {  	s23 =	simm.s32 $0x1B8B  }
0xa2: {  	_ =	swait.ge [sflag:s23], $0x1  }
0xa3: {  	[sflag:s23] =	ssyncset.done $0x0  }
0xa4: {  	s25 =	simm.s32 $0x1B8E;
	s24 =	sld [smem:$0x3FFE];
	[sflag:s23] =	ssyncadd.s32 $0xFFFFFFFF  }
0xa5: {  	s26 =	simm.s32 $execute0_lowered;
	[smem:$0x3FD2] =	sst s25  }
0xa6: {  	s5 =	sshll.u32 s26, $0x1;
	_ =	strace $0x80000049;
	[dreg:$0x1] =	wrdreg $0xFFFFFFFF  }
0xa7: {  	s28 =	simm.s32 $_size_execute0_lowered;
	s3 =	sadd.s32 s3, s5;
	[dreg:$0x0] =	wrdreg $0x0  }
0xa8: {  	s5 =	sshll.u32 s28, $0x1;
	[dreg:$0x2] =	wrdreg s3  }
0xa9: {  	[dreg:$0x3] =	wrdreg s5  }
0xaa: {  	[dreg:$0x4] =	wrdreg $0xC0  }
0xab: {  	_ =	task [dreg:s7], $0x5FFFF  }
0xac: {  	[dreg:$0x1] =	wrdreg $0xFFFFFFFF  }
0xad: {  	[dreg:$0x0] =	wrdreg $0x60  }
0xae: {  	[dreg:$0x2] =	wrdreg s24  }
0xaf: {  	[dreg:$0x3] =	wrdreg s2  }
0xb0: {  	[dreg:$0x4] =	wrdreg $0xA8000  }
0xb1: {  	[dreg:$0x5] =	wrdreg $0x9  }
0xb2: {  	_ =	task.clear_ibuf [dreg:s7], $0x6FFFF;
	_ =	strace $0x90000049  }
0xb3: {  	s29 =	simm.s32 $0x9;
	_ =	strace $0x8000004B  }
0xb4: {  	_ =	swait.ge [sflag:s29], $0x1  }
0xb5: {  	[sflag:s29] =	ssyncadd.s32 $0xFFFFFFFF  }
0xb6: {  	_ =	strace $0x9000004B  }
0xb7: {  	_ =	sfence  }
0xb8: {  	s30 =	sld [smem:$0x0];
	_ =	sdelay $0x2  }
0xb9: {  	s31 =	sshll.u32 s1, $0xD;
	s1 =	sshrl.u32 s1, $0x2  }
0xba: {  	s3 =	sand.u32 $0x4000, s31;
	s1 =	sadd.s32 s1, s30  }
0xbb: {  	s0 =	sor.u32 s3, s0;
	s1 =	sshll.u32 s1, $0x11  }
0xbc: {  	s0 =	sor.u32 s1, s0  }
0xbd: {  	s0 =	sadd.s32 $0x8F2B, s0  }
0xbe: {  	[sflag:s0] =	ssyncadd.remote.s32 $0x1  }
0xbf: {  	_ =	sfence.sel $0xFFFF  }
0xc0: {  	[dreg:$0x0] =	wrdreg $0xFFFFFFFF;
	(pc) =	sbr.abs _section_cstart, $3  }
0xc1: {  	[dreg:$0x1] =	wrdreg $0xFFFFFFFF  }
0xc2: {  	_ =	task.clear_ibuf [dreg:s7], $0x2FFFF;
	_ =	strace $0x9FFFFFFF  }
0xc3: {  	(tm) =	ssettm $0x7FFFFFFF  }
tec
execute0_lowered:
.L_overlay_start_1:
0x0: {  	(tag) =	ssettag $0x1  }
0x1: {  	s6 =	rddreg [dreg:$0x0]  }
0x2: {  	s1 =	srdreg.scid;
	s2 =	rddreg [dreg:$0x1]  }
0x3: {  	s0 =	stileid.u32;
	s3 =	rddreg [dreg:$0x2]  }
0x4: {  	s4 =	simm.s32 $0x0;
	s14 =	simm.s32 $0x2800;
	s15 =	simm.s32 $0x3  }
0x5: {  	s16 =	simm.s32 $0x1400;
	s17 =	simm.s32 $0x80;
	s18 =	simm.s32 $0x1  }
0x6: {  	s19 =	simm.s32 $0x6800;
	s20 =	simm.s32 $0x2;
	s21 =	simm.s32 $0x1380  }
0x7: {  	s22 =	simm.s32 $0x2700;
	s23 =	simm.s32 $0x2780;
	s9 =	smul.u32 $0x14000, s0  }
0x8: {  	s5 =	sand.u32 $0x1, s1;
	s26 =	sshll.u32 s0, $0x1;
	s10 =	smul.u32 $0x50000, s0  }
0x9: {  	s24 =	simm.s32 $0x0;
	s1 =	sor.u32 s5, s26;
	s8 =	smul.u32 $0x140000, s5  }
0xa: {  	[smem:$0x7FF] =	sst s4;
	s29 =	ssub.s32 $0x2, s5;
	s7 =	smul.u32 $0x280, s1  }
0xb: {  	s1 =	rddreg [dreg:$0x3];
	_ =	strace $0x8000004A;
	s30 =	sshrl.u32 s10, $0x2  }
0xc: {  	s31 =	sshrl.u32 s29, $0x1;
	s28 =	sadd.s32 s9, s8;
	s5 =	sadd.s32 s30, s3  }
0xd: {  	s13 =	ssub.s32 s29, s31;
	s11 =	sadd.s32 s7, s6;
	s7 =	sshrl.u32 s28, $0x3  }
0xe: {  	s8 =	sadd.s32 $0xC000, s5;
	s9 =	sadd.s32 $0x10000, s5;
	s13 =	smax.u32 s13, $0x1  }
0xf: {  	s12 =	sadd.s32 s7, s6;
	s6 =	sadd.s32 $0x4000, s5;
	s7 =	sadd.s32 $0x8000, s5  }
0x10: {  	v0 =	vimm.f32 $0.0e+00;
	s10 =	sadd.s32 $0x6E00, s11;
	s11 =	sadd.s32 $0x1A00, s11;
	s12 =	sadd.s32 $0x33000, s12  }
.LBB2_1:
0x11: {  	s25 =	sand.u32 $0xFE00, s4  }
0x12: {  	s26 =	sand.u32 $0x70, s4;
	s28 =	sshrl.u32 s25, $0x2  }
0x13: {  	s25 =	simm.s32 $0x40;
	s28 =	sor.u32 s26, s28;
	s26 =	simm.s32 $0x0  }
.LBB2_2:
0x14: {  	p0 =	sne.s32 s25, $0xFFC0  }
0x15: {  	[tilespmem:s28+$0x2800] =	vst v0;
	s26 =	sadd.s32 $0x10, s26;
	s28 =	smov.u32 s25;
	s25 =	sadd.s32 $0x40, s25  }
.Ltmp0:
0x16: {  	(pc) =	sbr.rel @p0 .LBB2_2-.Ltmp0, $4  }
0x17: {  	_ = 	snop  }
0x18: {  	s28 =	sand.u32 $0xFE00, s28  }
0x19: {  	s29 =	sand.u32 $0x70, s26;
	s28 =	sshrl.u32 s28, $0x2  }
0x1a: {  	s28 =	sor.u32 s29, s28  }
0x1b: {  	[tilespmem:s28+$0x2800] =	vst v0  }
0x1c: {  	[spmem:s5] =	stream.linear.scatter [tilespmem:s14], [sflag:$0x3], $0x4000, $0x38;
	[tilespmem:$0x1E800] =	vst v63  }
0x1d: {  	_ =	swait.ge [sflag:s15], $0x4000  }
0x1e: {  	[sflag:s15] =	ssyncset.done $0x0  }
0x1f: {  	[sflag:s15] =	ssyncadd.s32 $0xFFFFC000  }
0x20: {  	[spmem:s6] =	stream.linear.scatter [tilespmem:s14], [sflag:$0x3], $0x4000, $0x38;
	[tilespmem:$0x1E800] =	vst v63  }
0x21: {  	_ =	swait.ge [sflag:s15], $0x4000  }
0x22: {  	[sflag:s15] =	ssyncset.done $0x0  }
0x23: {  	[sflag:s15] =	ssyncadd.s32 $0xFFFFC000  }
0x24: {  	[spmem:s7] =	stream.linear.scatter [tilespmem:s14], [sflag:$0x3], $0x4000, $0x38;
	[tilespmem:$0x1E800] =	vst v63  }
0x25: {  	_ =	swait.ge [sflag:s15], $0x4000  }
0x26: {  	[sflag:s15] =	ssyncset.done $0x0  }
0x27: {  	[sflag:s15] =	ssyncadd.s32 $0xFFFFC000  }
0x28: {  	[spmem:s8] =	stream.linear.scatter [tilespmem:s14], [sflag:$0x3], $0x4000, $0x38;
	[tilespmem:$0x1E800] =	vst v63  }
0x29: {  	_ =	swait.ge [sflag:s15], $0x4000  }
0x2a: {  	[sflag:s15] =	ssyncset.done $0x0  }
0x2b: {  	[sflag:s15] =	ssyncadd.s32 $0xFFFFC000  }
0x2c: {  	[spmem:s9] =	stream.linear.scatter [tilespmem:s14], [sflag:$0x3], $0x4000, $0x38;
	[tilespmem:$0x1E800] =	vst v63  }
0x2d: {  	_ =	swait.ge [sflag:s15], $0x4000  }
0x2e: {  	[sflag:s15] =	ssyncset.done $0x0  }
0x2f: {  	s25 =	simm.s32 $0x0;
	[sflag:s15] =	ssyncadd.s32 $0xFFFFC000  }
0x30: {  	[tilespmem:s25], [sflag:$0x3] =	stream.linear.gather [hbm4b:s10+s25], $0x1400, $0x38;
	[tilespmem:$0x1E800] =	vst v63  }
0x31: {  	_ =	swait.ge [sflag:s15], $0x1400  }
0x32: {  	[sflag:s15] =	ssyncset.done $0x0  }
0x33: {  	[sflag:s15] =	ssyncadd.s32 $0xFFFFEC00  }
0x34: {  	[tilespmem:s16], [sflag:$0x3] =	stream.linear.gather [hbm4b:s11+s25], $0x1400, $0x38;
	[tilespmem:$0x1E800] =	vst v63  }
0x35: {  	_ =	swait.ge [sflag:s15], $0x1400  }
0x36: {  	[sflag:s15] =	ssyncset.done $0x0  }
0x37: {  	[sflag:s15] =	ssyncadd.s32 $0xFFFFEC00  }
0x38: {  	[bflag:$0x0] =	sbarrier.arrive $0xFFFF  }
0x39: {  	[tilespmem:s14], [sflag:$0x1] =	stream.indirect.gather [hbm4b:s2+s17], $0x80, s25, s17, $0xb8;
	[tilespmem:$0x1E800] =	vst v63  }
0x3a: {  	_ =	swait.ge [sflag:s18], $0x4000  }
0x3b: {  	[sflag:s18] =	ssyncset.done $0x0  }
0x3c: {  	s28 =	simm.s32 $0x80;
	[sflag:s18] =	ssyncadd.s32 $0xFFFFC000  }
0x3d: {  	[tilespmem:s19], [sflag:$0x2] =	stream.indirect.gather [hbm4b:s2+s17], $0x80, s28, s17, $0xb8;
	[tilespmem:$0x1E800] =	vst v63  }
0x3e: {  	s29 =	simm.s32 $0x1400  }
0x3f: {  	[spmem:s3] =	stream.indirect.scatter.add.f32 [tilespmem:s14], [sflag:$0x3], $0x80, s29, s17, $0xb8;
	[tilespmem:$0x1E800] =	vst v63  }
0x40: {  	_ =	swait.ge [sflag:s15], $0x4000  }
0x41: {  	[sflag:s15] =	ssyncset.done $0x0  }
0x42: {  	[sflag:s15] =	ssyncadd.s32 $0xFFFFC000  }
0x43: {  	_ =	swait.ge [sflag:s20], $0x4000  }
0x44: {  	[sflag:s20] =	ssyncset.done $0x0  }
0x45: {  	s30 =	simm.s32 $0x100;
	[sflag:s20] =	ssyncadd.s32 $0xFFFFC000  }
0x46: {  	[tilespmem:s14], [sflag:$0x1] =	stream.indirect.gather [hbm4b:s2+s17], $0x80, s30, s17, $0xb8;
	[tilespmem:$0x1E800] =	vst v63  }
0x47: {  	s31 =	simm.s32 $0x1480  }
0x48: {  	[spmem:s3] =	stream.indirect.scatter.add.f32 [tilespmem:s19], [sflag:$0x3], $0x80, s31, s17, $0xb8;
	[tilespmem:$0x1E800] =	vst v63  }
0x49: {  	_ =	swait.ge [sflag:s15], $0x4000  }
0x4a: {  	s25 =	simm.s32 $0x400;
	[sflag:s15] =	ssyncset.done $0x0  }
.LBB2_4:
0x4b: {  	p0 =	sne.s32 s25, $0x4800  }
0x4c: {  	[sflag:s15] =	ssyncadd.s32 $0xFFFFC000;
	s26 =	smov.u32 s25;
	s25 =	sadd.s32 $0x400, s25  }
0x4d: {  	_ = 	snop  }
0x4e: {  	_ =	swait.ge [sflag:s18], $0x4000  }
0x4f: {  	s26 =	sshra.s32 s26, $0x2;
	[sflag:s18] =	ssyncset.done $0x0  }
0x50: {  	s28 =	sadd.s32 $0x80, s26;
	[sflag:s18] =	ssyncadd.s32 $0xFFFFC000  }
0x51: {  	[tilespmem:s19], [sflag:$0x2] =	stream.indirect.gather [hbm4b:s2+s17], $0x80, s28, s17, $0xb8;
	[tilespmem:$0x1E800] =	vst v63  }
0x52: {  	s28 =	sadd.s32 $0x1400, s26  }
0x53: {  	[spmem:s3] =	stream.indirect.scatter.add.f32 [tilespmem:s14], [sflag:$0x3], $0x80, s28, s17, $0xb8;
	[tilespmem:$0x1E800] =	vst v63  }
0x54: {  	_ =	swait.ge [sflag:s15], $0x4000  }
0x55: {  	[sflag:s15] =	ssyncset.done $0x0  }
0x56: {  	[sflag:s15] =	ssyncadd.s32 $0xFFFFC000  }
0x57: {  	_ =	swait.ge [sflag:s20], $0x4000  }
0x58: {  	[sflag:s20] =	ssyncset.done $0x0  }
0x59: {  	s28 =	sadd.s32 $0x100, s26;
	[sflag:s20] =	ssyncadd.s32 $0xFFFFC000  }
0x5a: {  	[tilespmem:s14], [sflag:$0x1] =	stream.indirect.gather [hbm4b:s2+s17], $0x80, s28, s17, $0xb8;
	[tilespmem:$0x1E800] =	vst v63  }
.Ltmp1:
0x5b: {  	_ = 	snop;
	(pc) =	sbr.rel @p0 .LBB2_4-.Ltmp1, $4  }
0x5c: {  	s26 =	sadd.s32 $0x1480, s26  }
0x5d: {  	[spmem:s3] =	stream.indirect.scatter.add.f32 [tilespmem:s19], [sflag:$0x3], $0x80, s26, s17, $0xb8;
	[tilespmem:$0x1E800] =	vst v63  }
0x5e: {  	_ =	swait.ge [sflag:s15], $0x4000  }
0x5f: {  	[sflag:s15] =	ssyncset.done $0x0  }
0x60: {  	[sflag:s15] =	ssyncadd.s32 $0xFFFFC000  }
0x61: {  	_ =	swait.ge [sflag:s18], $0x4000  }
0x62: {  	[sflag:s18] =	ssyncset.done $0x0  }
0x63: {  	[sflag:s18] =	ssyncadd.s32 $0xFFFFC000  }
0x64: {  	[tilespmem:s19], [sflag:$0x2] =	stream.indirect.gather [hbm4b:s2+s17], $0x80, s21, s17, $0xb8;
	[tilespmem:$0x1E800] =	vst v63  }
0x65: {  	_ = 	snop  }
0x66: {  	[spmem:s3] =	stream.indirect.scatter.add.f32 [tilespmem:s14], [sflag:$0x3], $0x80, s22, s17, $0xb8;
	[tilespmem:$0x1E800] =	vst v63  }
0x67: {  	_ =	swait.ge [sflag:s15], $0x4000  }
0x68: {  	[sflag:s15] =	ssyncset.done $0x0  }
0x69: {  	[sflag:s15] =	ssyncadd.s32 $0xFFFFC000  }
0x6a: {  	_ =	swait.ge [sflag:s20], $0x4000  }
0x6b: {  	[sflag:s20] =	ssyncset.done $0x0  }
0x6c: {  	[sflag:s20] =	ssyncadd.s32 $0xFFFFC000  }
0x6d: {  	[spmem:s3] =	stream.indirect.scatter.add.f32 [tilespmem:s19], [sflag:$0x3], $0x80, s23, s17, $0xb8;
	[tilespmem:$0x1E800] =	vst v63  }
0x6e: {  	_ =	swait.ge [sflag:s15], $0x4000  }
0x6f: {  	s25 =	sshll.u32 s0, $0x6;
	s24 =	sadd.s32 $0x1, s24;
	[sflag:s15] =	ssyncset.done $0x0  }
0x70: {  	s26 =	sshrl.u32 s5, $0x3;
	p0 =	sne.s32 s24, s13;
	[sflag:s15] =	ssyncadd.s32 $0xFFFFC000  }
.Ltmp2:
0x71: {  	s25 =	sor.u32 $0x1C03, s25;
	[bflag:$0x0] =	sbarrier.arrive $0xFFFF;
	(pc) =	sbr.rel @p0 .LBB2_1-.Ltmp2, $4  }
0x72: {  	[hbm:s12], [sflag:s25] =	dma.local [spmem:s26], $0x2800  }
0x73: {  	_ =	swait.ge [sflag:s15], $0x2800  }
0x74: {  	[sflag:s15] =	ssyncset.done $0x0  }
0x75: {  	[sflag:s15] =	ssyncadd.s32 $0xFFFFD800  }
0x76: {  	_ =	sfence.sel $0x180000  }
0x77: {  	[bflag:$0x0] =	sbarrier.arrive $0xFFFF  }
0x78: {  	p0 =	sne.s32 s0, $0x0;
	_ =	strace $0x9000004A  }
0x79: {  	s0 =	sadd.s32 @!p0 $0x100000, s1;
	[bflag:$0x2] =	sbarrier.arrive $0xFFFF  }
0x7a: {  	[sflag:s0] =	ssyncadd.tile.s32 @!p0 $0x1;
	_ =	shalt  }
.Lfunc_end2:
_tile_overlayer_lowered:
.L_overlay_start_2:
0x7b: {  	(tag) =	ssettag $0x2  }
0x7c: {  	s0 =	rddreg [dreg:$0x0];
	s2 =	stileid.u32  }
0x7d: {  	s1 =	rddreg [dreg:$0x1];
	p0 =	sne.s32 s2, $0x0  }
0x7e: {  	s3 =	rddreg [dreg:$0x2];
	[bflag:$0x3] =	sbarrier.arrive $0xFFFF;
	s2 =	simm.s32 @!p0 $0x1C03  }
0x7f: {  	[timem:s3], [sflag:s2] =	dma.local @!p0 [hbm:s0], s1  }
0x80: {  	s0 =	simm.s32 @!p0 $0x3  }
0x81: {  	_ =	swait.ge @!p0 [sflag:s0], s1  }
0x82: {  	s1 =	ssub.s32 @!p0 $0x0, s1;
	[sflag:s0] =	ssyncset.done @!p0 $0x0  }
0x83: {  	[sflag:s0] =	ssyncadd.s32 @!p0 s1  }
0x84: {  	[bflag:$0x3] =	sbarrier.arrive $0xFFFF  }
0x85: {  	_ =	shalt  }

// kernel: kernel.8.cloned.1.call-start
scs
__scs_entry_jumppad:
0x0: {  	(pc) =	sbr.rel $0x88, $3  }
0x1: {  	(tag) =	ssettag $0x0;
	lr =	simm.s32 $0x1  }
0x2: {  	[smem:$0x3F99] =	sst lr;
	_ =	strace $0xD0000000  }
0x3: {  	_ = 	snop  }
0x4: {  	_ = 	snop  }
0x5: {  	_ = 	snop  }
0x6: {  	_ = 	snop  }
0x7: {  	_ = 	snop  }
__scs_overlays_trampoline_lowered:
0x8: {  	[smem:$0x3FA8] =	sst s0  }
0x9: {  	[smem:$0x3FA9] =	sst s1  }
0xa: {  	[smem:$0x3FAA] =	sst s2  }
0xb: {  	[smem:$0x3FAB] =	sst s3  }
0xc: {  	[smem:$0x3FAC] =	sst s4  }
0xd: {  	[smem:$0x3FAD] =	sst s5  }
0xe: {  	[smem:$0x3FAE] =	sst s6  }
0xf: {  	[smem:$0x3FAF] =	sst s7  }
0x10: {  	[smem:$0x3FB0] =	sst s8  }
0x11: {  	[smem:$0x3FB1] =	sst s9;
	s0 =	simm.s32 @!p0 $0x0  }
0x12: {  	s1 =	sld [smem:$0x3F97];
	s0 =	simm.s32 @p0 $0x1  }
0x13: {  	[smem:$0x3FB2] =	sst s0;
	s0 =	simm.s32 @!p1 $0x0  }
0x14: {  	s2 =	sld [smem:$0x3F96];
	s0 =	simm.s32 @p1 $0x1  }
0x15: {  	[smem:$0x3FB3] =	sst s0;
	s0 =	simm.s32 @!p2 $0x0  }
0x16: {  	s3 =	sld [smem:$0x3FDB];
	s0 =	simm.s32 @p2 $0x1  }
0x17: {  	s4 =	simm.s32 $0x1BF5;
	[smem:$0x3FB5] =	sst s0  }
0x18: {  	s0 =	sld [smem:$0x3F98];
	_ =	swait.ge [sflag:s4], $0x0  }
0x19: {  	s7 =	sld [smem:$0x3F99]  }
0x1a: {  	s8 =	sadd.s32 $0xFFFFE003, lr  }
0x1b: {  	s9 =	sadd.s32 $0xFFFFFEF7, lr;
	s5 =	simm.s32 $0xFFFFFFFF;
	p2 =	slt.u32 s8, $0xFFFFF086  }
0x1c: {  	p1 =	slt.u32 s9, $0xF7A;
	s5 =	simm.s32 @!p2 $0x0  }
0x1d: {  	s5 =	simm.s32 @p1 $0x1;
	p0 =	seq.s32 s7, s2  }
0x1e: {  	s7 =	smul.u32 @!p0 $0xF7A, s2;
	p2 =	seq.s32 @!p0 s5, $0x0  }
0x1f: {  	s9 =	smul.u32 $0xF7A, s1;
	s8 =	simm.s32 @!p0 $0x1BF5;
	p2 =	por !p2, p0  }
0x20: {  	[sflag:s8] =	ssyncset.s32 @!p0 $0xFFFFF086;
	s6 =	sadd.s32 @!p0 s3, s7;
	s7 =	simm.s32 @!p0 $0x108  }
0x21: {  	s3 =	sadd.s32 s3, s9;
	s6 =	sadd.s32 @!p0 $0x88, s6;
	s7 =	simm.s32 @p2 $0x1082  }
0x22: {  	[simem:s7], [sflag:s8] =	dma.local @!p0 [hbm:s6], $0xF7A  }
0x23: {  	s9 =	sor.u32 $0xD0000000, s2;
	s6 =	simm.s32 $0x108;
	_ =	swait.ge @!p0 [sflag:s8], $0x0  }
0x24: {  	s3 =	sadd.s32 $0x88, s3;
	s6 =	simm.s32 @!p1 $0x1082;
	[sflag:s4] =	ssyncset.s32 $0xFFFFF086  }
0x25: {  	[simem:s6], [sflag:s4] =	dma.local [hbm:s3], $0xF7A  }
0x26: {  	[smem:$0x3F99] =	sst s1;
	(tag) =	ssettag s2;
	_ =	strace s9  }
0x27: {  	s1 =	sld [smem:$0x3FA9]  }
0x28: {  	s2 =	sld [smem:$0x3FAA]  }
0x29: {  	s4 =	sld [smem:$0x3FAC]  }
0x2a: {  	p0 =	seq.s32 s5, $0x0;
	s5 =	sld [smem:$0x3FAD]  }
0x2b: {  	s6 =	sld [smem:$0x3FAE]  }
0x2c: {  	s7 =	sld [smem:$0x3FAF]  }
0x2d: {  	s3 =	simm.s32 $0x108;
	s8 =	sld [smem:$0x3FB0]  }
0x2e: {  	s3 =	simm.s32 @!p0 $0x1082;
	s9 =	sld [smem:$0x3FB1]  }
0x2f: {  	lr =	sadd.s32 s0, s3;
	s0 =	sld [smem:$0x3FA8]  }
0x30: {  	s3 =	sld [smem:$0x3FAB]  }
0x31: {  	[smem:$0x3FB4] =	sst s10  }
0x32: {  	s10 =	sld [smem:$0x3FB2];
	_ =	sdelay $0x3  }
0x33: {  	p0 =	seq.s32 s10, $0x1;
	s10 =	sld [smem:$0x3FB4];
	_ =	sdelay $0x3  }
0x34: {  	[smem:$0x3FB4] =	sst s10  }
0x35: {  	s10 =	sld [smem:$0x3FB3];
	_ =	sdelay $0x3  }
0x36: {  	p1 =	seq.s32 s10, $0x1;
	s10 =	sld [smem:$0x3FB4];
	_ =	sdelay $0x3  }
0x37: {  	[smem:$0x3FB4] =	sst s10  }
0x38: {  	s10 =	sld [smem:$0x3FB5]  }
0x39: {  	_ = 	snop;
	(pc) =	sbr.ind lr, $3  }
0x3a: {  	_ = 	snop  }
0x3b: {  	_ = 	snop  }
0x3c: {  	p2 =	seq.s32 s10, $0x1;
	s10 =	sld [smem:$0x3FB4]  }
0x3d: {  	_ =	shalt  }
0x3e: {  	_ =	shalt  }
0x3f: {  	_ =	shalt  }
0x40: {  	_ =	shalt  }
0x41: {  	_ =	shalt  }
0x42: {  	_ =	shalt  }
0x43: {  	_ =	shalt  }
0x44: {  	_ =	shalt  }
0x45: {  	_ =	shalt  }
0x46: {  	_ =	shalt  }
0x47: {  	_ =	shalt  }
0x48: {  	_ =	shalt  }
0x49: {  	_ =	shalt  }
0x4a: {  	_ =	shalt  }
0x4b: {  	_ =	shalt  }
0x4c: {  	_ =	shalt  }
0x4d: {  	_ =	shalt  }
0x4e: {  	_ =	shalt  }
0x4f: {  	_ =	shalt  }
0x50: {  	_ =	shalt  }
0x51: {  	_ =	shalt  }
0x52: {  	_ =	shalt  }
0x53: {  	_ =	shalt  }
0x54: {  	_ =	shalt  }
0x55: {  	_ =	shalt  }
0x56: {  	_ =	shalt  }
0x57: {  	_ =	shalt  }
0x58: {  	_ =	shalt  }
0x59: {  	_ =	shalt  }
0x5a: {  	_ =	shalt  }
0x5b: {  	_ =	shalt  }
0x5c: {  	_ =	shalt  }
0x5d: {  	_ =	shalt  }
0x5e: {  	_ =	shalt  }
0x5f: {  	_ =	shalt  }
0x60: {  	_ =	shalt  }
0x61: {  	_ =	shalt  }
0x62: {  	_ =	shalt  }
0x63: {  	_ =	shalt  }
0x64: {  	_ =	shalt  }
0x65: {  	_ =	shalt  }
0x66: {  	_ =	shalt  }
0x67: {  	_ =	shalt  }
0x68: {  	_ =	shalt  }
0x69: {  	_ =	shalt  }
0x6a: {  	_ =	shalt  }
0x6b: {  	_ =	shalt  }
0x6c: {  	_ =	shalt  }
0x6d: {  	_ =	shalt  }
0x6e: {  	_ =	shalt  }
0x6f: {  	_ =	shalt  }
0x70: {  	_ =	shalt  }
0x71: {  	_ =	shalt  }
0x72: {  	_ =	shalt  }
0x73: {  	_ =	shalt  }
0x74: {  	_ =	shalt  }
0x75: {  	_ =	shalt  }
0x76: {  	_ =	shalt  }
0x77: {  	_ =	shalt  }
0x78: {  	_ =	shalt  }
0x79: {  	_ =	shalt  }
0x7a: {  	_ =	shalt  }
0x7b: {  	_ =	shalt  }
0x7c: {  	_ =	shalt  }
0x7d: {  	_ =	shalt  }
0x7e: {  	_ =	shalt  }
0x7f: {  	_ =	shalt  }
0x80: {  	_ =	shalt  }
0x81: {  	_ =	shalt  }
0x82: {  	_ =	shalt  }
0x83: {  	_ =	shalt  }
0x84: {  	_ =	shalt  }
0x85: {  	_ =	shalt  }
0x86: {  	_ =	shalt  }
0x87: {  	_ =	shalt  }
.Lfunc_end0:
.L_simem_size_0:
called_computation_lowered:
.L_overlay_start_0:
0x88: {  	s2 =	sld [smem:$0x3FD9]  }
0x89: {  	s3 =	sld [smem:$0x3FFE];
	_ =	sdelay $0x1  }
0x8a: {  	s1 =	srdreg.scid  }
0x8b: {  	s0 =	sand.u32 $0x1, s1  }
0x8c: {  	s17 =	sshll.u32 s0, $0xA;
	s2 =	sadd.s32 s3, s2  }
0x8d: {  	s2 =	sadd.s32 s2, s17  }
0x8e: {  	[smem:$0x3FC0] =	sst s2  }
0x8f: {  	_ = 	snop  }
0x90: {  	s2 =	sld [smem:$0x3FD0];
	(tm) =	ssettm $0x1  }
0x91: {  	s18 =	sld [smem:$0x3FFB];
	_ =	sdelay $0x3  }
0x92: {  	_ =	strace s18  }
0x93: {  	s3 =	sld [smem:$0x3FFC];
	_ =	sdelay $0x3  }
0x94: {  	_ =	strace s3  }
0x95: {  	s3 =	sld [smem:$0x3FFD];
	_ =	sdelay $0x3  }
0x96: {  	_ =	strace s3  }
0x97: {  	_ =	strace $0x8FFFFFFF  }
0x98: {  	s19 =	sld [smem:$0x3FDB];
	_ =	sdelay $0x1  }
0x99: {  	s4 =	simm.s32 $_scs_section_size  }
0x9a: {  	s5 =	simm.s32 $_size__tile_overlayer_lowered;
	s6 =	simm.s32 $_tile_overlayer_lowered  }
0x9b: {  	s22 =	simm.s32 $0x1BFF;
	s21 =	sshll.u32 s6, $0x1;
	s3 =	sadd.s32 s4, s19  }
0x9c: {  	s7 =	simm.s32 $0x0;
	s20 =	sshll.u32 s5, $0x1;
	s5 =	sadd.s32 s21, s3  }
0x9d: {  	[timem:s7], [sflag:s22] =	dma.local [hbm:s5], s20  }
0x9e: {  	_ =	swait.ge [sflag:s22], s20  }
0x9f: {  	s4 =	ssub.s32 $0x0, s20;
	[sflag:s22] =	ssyncset.done $0x0  }
0xa0: {  	[sflag:s22] =	ssyncadd.s32 s4;
	_ =	sdelay $0x1  }
0xa1: {  	s23 =	simm.s32 $0x1B8B  }
0xa2: {  	_ =	swait.ge [sflag:s23], $0x1  }
0xa3: {  	[sflag:s23] =	ssyncset.done $0x0  }
0xa4: {  	s25 =	simm.s32 $0x1B8E;
	s24 =	sld [smem:$0x3FFE];
	[sflag:s23] =	ssyncadd.s32 $0xFFFFFFFF  }
0xa5: {  	s26 =	simm.s32 $execute0_lowered;
	[smem:$0x3FD2] =	sst s25  }
0xa6: {  	s5 =	sshll.u32 s26, $0x1;
	_ =	strace $0x80000046;
	[dreg:$0x1] =	wrdreg $0xFFFFFFFF  }
0xa7: {  	s28 =	simm.s32 $_size_execute0_lowered;
	s3 =	sadd.s32 s3, s5;
	[dreg:$0x0] =	wrdreg $0x0  }
0xa8: {  	s5 =	sshll.u32 s28, $0x1;
	[dreg:$0x2] =	wrdreg s3  }
0xa9: {  	[dreg:$0x3] =	wrdreg s5  }
0xaa: {  	[dreg:$0x4] =	wrdreg $0xC0  }
0xab: {  	_ =	task [dreg:s7], $0x5FFFF  }
0xac: {  	[dreg:$0x1] =	wrdreg $0xFFFFFFFF  }
0xad: {  	[dreg:$0x0] =	wrdreg $0x60  }
0xae: {  	[dreg:$0x2] =	wrdreg s24  }
0xaf: {  	[dreg:$0x3] =	wrdreg s2  }
0xb0: {  	[dreg:$0x4] =	wrdreg $0x17000  }
0xb1: {  	[dreg:$0x5] =	wrdreg $0x9  }
0xb2: {  	_ =	task.clear_ibuf [dreg:s7], $0x6FFFF;
	_ =	strace $0x90000046  }
0xb3: {  	s29 =	simm.s32 $0x9;
	_ =	strace $0x80000048  }
0xb4: {  	_ =	swait.ge [sflag:s29], $0x1  }
0xb5: {  	[sflag:s29] =	ssyncadd.s32 $0xFFFFFFFF  }
0xb6: {  	_ =	strace $0x90000048  }
0xb7: {  	_ =	sfence  }
0xb8: {  	s30 =	sld [smem:$0x0];
	_ =	sdelay $0x2  }
0xb9: {  	s31 =	sshll.u32 s1, $0xD;
	s1 =	sshrl.u32 s1, $0x2  }
0xba: {  	s3 =	sand.u32 $0x4000, s31;
	s1 =	sadd.s32 s1, s30  }
0xbb: {  	s0 =	sor.u32 s3, s0;
	s1 =	sshll.u32 s1, $0x11  }
0xbc: {  	s0 =	sor.u32 s1, s0  }
0xbd: {  	s0 =	sadd.s32 $0x8F2B, s0  }
0xbe: {  	[sflag:s0] =	ssyncadd.remote.s32 $0x1  }
0xbf: {  	_ =	sfence.sel $0xFFFF  }
0xc0: {  	[dreg:$0x0] =	wrdreg $0xFFFFFFFF;
	(pc) =	sbr.abs _section_cstart, $3  }
0xc1: {  	[dreg:$0x1] =	wrdreg $0xFFFFFFFF  }
0xc2: {  	_ =	task.clear_ibuf [dreg:s7], $0x2FFFF;
	_ =	strace $0x9FFFFFFF  }
0xc3: {  	(tm) =	ssettm $0x7FFFFFFF  }
tec
execute0_lowered:
.L_overlay_start_1:
0x0: {  	(tag) =	ssettag $0x1  }
0x1: {  	s4 =	rddreg [dreg:$0x0];
	s1 =	srdreg.scid  }
0x2: {  	s0 =	stileid.u32;
	s6 =	rddreg [dreg:$0x1]  }
0x3: {  	s2 =	rddreg [dreg:$0x2];
	s3 =	simm.s32 $0x0;
	s11 =	simm.s32 $0x1400  }
0x4: {  	s14 =	simm.s32 $0x20;
	s15 =	simm.s32 $0x10;
	s16 =	simm.s32 $0x0  }
0x5: {  	s5 =	sand.u32 $0x1, s1;
	s1 =	rddreg [dreg:$0x3];
	s8 =	smul.u32 $0xA00, s0  }
0x6: {  	s26 =	sshll.u32 s0, $0x1;
	[smem:$0x7FF] =	sst s3;
	s10 =	smul.u32 $0x500, s0  }
0x7: {  	s12 =	sshll.u32 s0, $0x6;
	s7 =	sor.u32 s5, s26;
	_ =	strace $0x80000047  }
0x8: {  	s9 =	ssub.s32 $0x2, s5;
	s5 =	sshll.u32 s5, $0x7;
	s12 =	sor.u32 $0x1C01, s12  }
0x9: {  	s7 =	smul.u32 $0x280, s7;
	s28 =	sshrl.u32 s9, $0x1;
	s29 =	sshrl.u32 s8, $0x2  }
0xa: {  	s30 =	sor.u32 s5, s10;
	s8 =	simm.s32 $0x1480;
	s10 =	simm.s32 $0x80  }
0xb: {  	s9 =	ssub.s32 s9, s28;
	s31 =	sshrl.u32 s30, $0x3;
	s7 =	sadd.s32 s7, s4  }
0xc: {  	s4 =	sadd.s32 s29, s2;
	s6 =	sadd.s32 s6, s31;
	s5 =	sadd.s32 $0x1A00, s7  }
0xd: {  	v0 =	vimm.f32 $0.0e+00;
	v1 =	vimm.f32 $1.000000000e+00;
	s7 =	smax.u32 s9, $0x1;
	s9 =	simm.s32 $0x1;
	s13 =	sshrl.u32 s4, $0x3  }
.LBB2_1:
0xe: {  	[tilespmem:$0x1480] =	vst v0  }
0xf: {  	[tilespmem:$0x1490] =	vst v0  }
0x10: {  	[tilespmem:$0x14A0] =	vst v0  }
0x11: {  	[tilespmem:$0x14B0] =	vst v0  }
0x12: {  	[tilespmem:$0x14C0] =	vst v0  }
0x13: {  	[tilespmem:$0x14D0] =	vst v0  }
0x14: {  	[tilespmem:$0x14E0] =	vst v0  }
0x15: {  	[tilespmem:$0x14F0] =	vst v0  }
0x16: {  	[tilespmem:$0x1500] =	vst v0  }
0x17: {  	[tilespmem:$0x1510] =	vst v0  }
0x18: {  	[tilespmem:$0x1520] =	vst v0  }
0x19: {  	[tilespmem:$0x1530] =	vst v0  }
0x1a: {  	[tilespmem:$0x1540] =	vst v0  }
0x1b: {  	[tilespmem:$0x1550] =	vst v0  }
0x1c: {  	[tilespmem:$0x1560] =	vst v0  }
0x1d: {  	[tilespmem:$0x1570] =	vst v0  }
0x1e: {  	[tilespmem:$0x1580] =	vst v0  }
0x1f: {  	[tilespmem:$0x1590] =	vst v0  }
0x20: {  	[tilespmem:$0x15A0] =	vst v0  }
0x21: {  	[tilespmem:$0x15B0] =	vst v0  }
0x22: {  	[tilespmem:$0x15C0] =	vst v0  }
0x23: {  	[tilespmem:$0x15D0] =	vst v0  }
0x24: {  	[tilespmem:$0x15E0] =	vst v0  }
0x25: {  	[tilespmem:$0x15F0] =	vst v0  }
0x26: {  	[tilespmem:$0x1600] =	vst v0  }
0x27: {  	[tilespmem:$0x1610] =	vst v0  }
0x28: {  	[tilespmem:$0x1620] =	vst v0  }
0x29: {  	[tilespmem:$0x1630] =	vst v0  }
0x2a: {  	[tilespmem:$0x1640] =	vst v0  }
0x2b: {  	[tilespmem:$0x1650] =	vst v0  }
0x2c: {  	[tilespmem:$0x1660] =	vst v0  }
0x2d: {  	[tilespmem:$0x1670] =	vst v0  }
0x2e: {  	[tilespmem:$0x1680] =	vst v0  }
0x2f: {  	[tilespmem:$0x1690] =	vst v0  }
0x30: {  	[tilespmem:$0x16A0] =	vst v0  }
0x31: {  	[tilespmem:$0x16B0] =	vst v0  }
0x32: {  	[tilespmem:$0x16C0] =	vst v0  }
0x33: {  	[tilespmem:$0x16D0] =	vst v0  }
0x34: {  	[tilespmem:$0x16E0] =	vst v0  }
0x35: {  	[tilespmem:$0x16F0] =	vst v0  }
0x36: {  	[spmem:s4] =	stream.linear.scatter [tilespmem:s8], [sflag:$0x1], $0x280, $0x38;
	[tilespmem:$0x1980] =	vst v63  }
0x37: {  	_ =	swait.ge [sflag:s9], $0x280  }
0x38: {  	[sflag:s9] =	ssyncset.done $0x0  }
0x39: {  	[sflag:s9] =	ssyncadd.s32 $0xFFFFFD80  }
0x3a: {  	[tilespmem:$0x1400] =	vst v1  }
0x3b: {  	[tilespmem:$0x1410] =	vst v1  }
0x3c: {  	[tilespmem:$0x1420] =	vst v1  }
0x3d: {  	[tilespmem:$0x1430] =	vst v1  }
0x3e: {  	[tilespmem:$0x1440] =	vst v1  }
0x3f: {  	[tilespmem:$0x1450] =	vst v1  }
0x40: {  	[tilespmem:$0x1460] =	vst v1  }
0x41: {  	[tilespmem:$0x1470] =	vst v1  }
0x42: {  	[tilespmem:s3], [sflag:$0x1] =	stream.linear.gather [hbm4b:s5+s3], $0x1400, $0x38;
	[tilespmem:$0x1980] =	vst v63  }
0x43: {  	_ =	swait.ge [sflag:s9], $0x1400  }
0x44: {  	[sflag:s9] =	ssyncset.done $0x0  }
0x45: {  	[sflag:s9] =	ssyncadd.s32 $0xFFFFEC00  }
0x46: {  	s17 =	simm.s32 $0x0;
	[bflag:$0x0] =	sbarrier.arrive $0xFFFF  }
0x47: {  	[spmem:s2] =	stream.indirect.scatter.add.f32 [tilespmem:s11], [sflag:$0x1], $0x1, s17, s10, $0xb8;
	[tilespmem:$0x1980] =	vst v63  }
0x48: {  	_ =	swait.ge [sflag:s9], $0x80  }
0x49: {  	s17 =	simm.s32 $0x200;
	[sflag:s9] =	ssyncset.done $0x0  }
.LBB2_2:
0x4a: {  	s18 =	sshra.s32 s17, $0x2;
	[sflag:s9] =	ssyncadd.s32 $0xFFFFFF80;
	p0 =	sne.s32 s17, $0x4E00  }
0x4b: {  	[spmem:s2] =	stream.indirect.scatter.add.f32 [tilespmem:s11], [sflag:$0x1], $0x1, s18, s10, $0xb8;
	[tilespmem:$0x1980] =	vst v63  }
.Ltmp0:
0x4c: {  	_ = 	snop;
	(pc) =	sbr.rel @p0 .LBB2_2-.Ltmp0, $4  }
0x4d: {  	_ = 	snop  }
0x4e: {  	s17 =	sadd.s32 $0x200, s17  }
0x4f: {  	_ =	swait.ge [sflag:s9], $0x80  }
0x50: {  	[sflag:s9] =	ssyncset.done $0x0  }
0x51: {  	s16 =	sadd.s32 $0x1, s16  }
0x52: {  	[sflag:s9] =	ssyncadd.s32 $0xFFFFFF80;
	p0 =	sne.s32 s16, s7  }
.Ltmp1:
0x53: {  	[bflag:$0x0] =	sbarrier.arrive $0xFFFF;
	(pc) =	sbr.rel @p0 .LBB2_1-.Ltmp1, $4  }
0x54: {  	[hbm:s6@s14], [sflag:s12] =	dma.strided [spmem:s13@s15], $0x50, s9, $0x10   }
0x55: {  	_ =	swait.ge [sflag:s9], $0x50  }
0x56: {  	[sflag:s9] =	ssyncset.done $0x0  }
0x57: {  	[sflag:s9] =	ssyncadd.s32 $0xFFFFFFB0  }
0x58: {  	_ =	sfence.sel $0x180000  }
0x59: {  	[bflag:$0x0] =	sbarrier.arrive $0xFFFF  }
0x5a: {  	p0 =	sne.s32 s0, $0x0;
	_ =	strace $0x90000047  }
0x5b: {  	s0 =	sadd.s32 @!p0 $0x100000, s1;
	[bflag:$0x2] =	sbarrier.arrive $0xFFFF  }
0x5c: {  	[sflag:s0] =	ssyncadd.tile.s32 @!p0 $0x1;
	_ =	shalt  }
.Lfunc_end2:
_tile_overlayer_lowered:
.L_overlay_start_2:
0x5d: {  	(tag) =	ssettag $0x2  }
0x5e: {  	s0 =	rddreg [dreg:$0x0];
	s2 =	stileid.u32  }
0x5f: {  	s1 =	rddreg [dreg:$0x1];
	p0 =	sne.s32 s2, $0x0  }
0x60: {  	s3 =	rddreg [dreg:$0x2];
	[bflag:$0x3] =	sbarrier.arrive $0xFFFF;
	s2 =	simm.s32 @!p0 $0x1C01  }
0x61: {  	[timem:s3], [sflag:s2] =	dma.local @!p0 [hbm:s0], s1  }
0x62: {  	s0 =	simm.s32 @!p0 $0x1  }
0x63: {  	_ =	swait.ge @!p0 [sflag:s0], s1  }
0x64: {  	s1 =	ssub.s32 @!p0 $0x0, s1;
	[sflag:s0] =	ssyncset.done @!p0 $0x0  }
0x65: {  	[sflag:s0] =	ssyncadd.s32 @!p0 s1  }
0x66: {  	[bflag:$0x3] =	sbarrier.arrive $0xFFFF  }
0x67: {  	_ =	shalt  }

</sc_bundles>
